<compile_context>
chip_gen: v7x
topology: tpu7x:2x2x1
jax: 0.10.2.dev20260603
libtpu: 0.0.44.dev20260713+nightly
codegen_flags: <defaults>
</compile_context>

<pallas_src>
import functools

import jax
import jax.numpy as jnp
from jax import lax
from jax.experimental import pallas as pl
from jax.experimental.pallas import tpu as pltpu
from jax.experimental.pallas import tpu_sc as plsc

D = 128
B = 4096
L = 200
NC = 2
NS = 16
NW = NC * NS
BPW = B // NW
NCH = 2
CH = L // NCH
VL = 16
NV = D // VL

_mesh = plsc.VectorSubcoreMesh(core_axis_name="c", subcore_axis_name="s")


@functools.partial(
    pl.kernel,
    mesh=_mesh,
    out_type=jax.ShapeDtypeStruct((B, D), jnp.float32),
    scratch_types=[
        pltpu.VMEM((BPW, NCH, CH), jnp.int32),
        pltpu.VMEM((L, D), jnp.float32),
        pltpu.VMEM((L, D), jnp.float32),
        pltpu.VMEM((BPW, D), jnp.float32),
        pltpu.SemaphoreType.DMA,
        pltpu.SemaphoreType.DMA,
    ],
)
def _pooled_lookup(idx_hbm, table_hbm, out_hbm, idx_v, rows0, rows1, out_v,
                   sem0, sem1):
    wid = lax.axis_index("s") * NC + lax.axis_index("c")
    base = wid * BPW

    def start_gather(b, rows, sem):
        for j in range(NCH):
            pltpu.async_copy(
                table_hbm.at[idx_v.at[b, j]],
                rows.at[pl.ds(j * CH, CH)],
                sem,
            )

    def drain_gather(rows, sem):
        pltpu.make_async_copy(table_hbm.at[pl.ds(0, L)], rows, sem).wait()

    def accumulate(rows, b):
        def acc_body(t, acc):
            return tuple(
                acc[j] + rows[t, pl.ds(j * VL, VL)] for j in range(NV)
            )

        acc = lax.fori_loop(
            0, L, acc_body,
            tuple(jnp.zeros((VL,), jnp.float32) for _ in range(NV)),
            unroll=8,
        )
        scale = jnp.float32(1.0 / L)
        for j in range(NV):
            out_v[b, pl.ds(j * VL, VL)] = acc[j] * scale

    pltpu.sync_copy(idx_hbm.at[pl.ds(base, BPW)], idx_v)
    start_gather(0, rows0, sem0)

    def per_pair(g, carry):
        b0 = 2 * g
        b1 = b0 + 1
        start_gather(b1, rows1, sem1)
        drain_gather(rows0, sem0)
        accumulate(rows0, b0)

        @pl.when(b1 + 1 < BPW)
        def _():
            start_gather(b1 + 1, rows0, sem0)

        drain_gather(rows1, sem1)
        accumulate(rows1, b1)
        return carry

    lax.fori_loop(0, BPW // 2, per_pair, 0)
    pltpu.sync_copy(out_v, out_hbm.at[pl.ds(base, BPW)])


def kernel(indices, table):
    idx3 = indices.reshape(B, NCH, CH).astype(jnp.int32)
    return _pooled_lookup(idx3, table)

# --- scband reference (transcript-rebuilt; emitter-appended) ---
"""Pipeline reference for scband-word2-vec-backbone-adapter-21603685499452 (READ-ONLY COPY).

The authoritative reference and input builder live on the scoring server;
editing this copy changes nothing except your own understanding.
"""

import jax, jax.numpy as jnp
import numpy as np

VOCAB = 1000000
EMBED_DIM = 128
BATCH = 4096
SEQ_LEN = 200

def setup_inputs(seed: int = 0) -> dict:
    key = jax.random.key(seed)
    k1, k2 = jax.random.split(key)
    indices = jax.random.randint(k1, (BATCH, SEQ_LEN), 0, VOCAB, dtype=jnp.int64 if jax.config.jax_enable_x64 else jnp.int32)
    table = jax.random.normal(k2, (VOCAB, EMBED_DIM), dtype=jnp.float32)
    return {"indices": indices, "table": table}

def reference(indices, table):
    # Word2VecBackboneAdapter.encode_texts: for each text, gather token
    # embeddings from the pretrained table and mean-pool over tokens.
    # Batched tensor form: gather [B, L, D] then mean over L -> [B, D].
    emb = jnp.take(table, indices, axis=0)  # [B, L, D]
    out = jnp.mean(emb, axis=1)             # [B, D]
    return out

if __name__ == "__main__":
    import jax
    _d = setup_inputs()
    print(jax.jit(kernel)(*tuple(_d.values())))

</pallas_src>

<mosaic_0001>
#map = affine_map<(d0, d1) -> (0, 0, 0)>
#map1 = affine_map<(d0, d1) -> (0, 0)>
module attributes {stable_mosaic.version = 14 : i64} {
  func.func @_pooled_lookup(%arg0: i32, %arg1: i32, %arg2: memref<4096x2x100xi32, #tpu.memory_space<hbm>>, %arg3: memref<1000000x128xf32, #tpu.memory_space<hbm>>, %arg4: memref<4096x128xf32, #tpu.memory_space<hbm>>, %arg5: memref<128x2x100xi32, #tpu.memory_space<vmem>>, %arg6: memref<200x128xf32, #tpu.memory_space<vmem>>, %arg7: memref<200x128xf32, #tpu.memory_space<vmem>>, %arg8: memref<128x128xf32, #tpu.memory_space<vmem>>, %arg9: memref<!tpu.dma_semaphore, #tpu.memory_space<semaphore_mem>>, %arg10: memref<!tpu.dma_semaphore, #tpu.memory_space<semaphore_mem>>) attributes {dimension_semantics = [#tpu.dimension_semantics<core_parallel>, #tpu.dimension_semantics<subcore_parallel>], iteration_bounds = array<i64: 2, 16>, scalar_prefetch = 0 : i64, scratch_operands = 6 : i64, tpu.core_type = #tpu.core_type<sc_vector_subcore>, window_params = [{transform_indices = #map}, {transform_indices = #map1}, {transform_indices = #map1}]} {
    %mul3A = arith.constant 2 : i32
    %mul3A_0 = arith.muli %arg1, %mul3A : i32
    %add3A = arith.addi %mul3A_0, %arg0 : i32
    %mul3A_1 = arith.constant 128 : i32
    %mul3A_2 = arith.muli %add3A, %mul3A_1 : i32
    "tpu.region"() ({
      %run_scoped3A = tpu.sem_alloc : memref<!tpu.dma_semaphore, #tpu.memory_space<semaphore_mem>>
      %dma_start3A_29 = arith.constant 0 : i32
      %dma_start3A_30 = arith.constant 0 : i32
      %dma_start3A_31 = tpu.memref_slice %arg2[%mul3A_2, %dma_start3A_29, %dma_start3A_30] : memref<4096x2x100xi32, #tpu.memory_space<hbm>> -> memref<128x2x100xi32, #tpu.memory_space<hbm>>
      %dma_start3A_32 = arith.constant 0 : i32
      %dma_start3A_33 = arith.constant 0 : i32
      %dma_start3A_34 = tpu.memref_slice %arg2[%mul3A_2, %dma_start3A_32, %dma_start3A_33] : memref<4096x2x100xi32, #tpu.memory_space<hbm>> -> memref<128x2x100xi32, #tpu.memory_space<hbm>>
      tpu.enqueue_dma source(%dma_start3A_34 : memref<128x2x100xi32, #tpu.memory_space<hbm>>) target(%arg5 : memref<128x2x100xi32, #tpu.memory_space<vmem>>) target_semaphore(%run_scoped3A : memref<!tpu.dma_semaphore, #tpu.memory_space<semaphore_mem>>)
      %dma_wait3A = arith.constant 0 : i32
      %dma_wait3A_35 = arith.constant 0 : i32
      %dma_wait3A_36 = tpu.memref_slice %arg2[%mul3A_2, %dma_wait3A, %dma_wait3A_35] : memref<4096x2x100xi32, #tpu.memory_space<hbm>> -> memref<128x2x100xi32, #tpu.memory_space<hbm>>
      %dma_wait3A_37 = arith.constant 0 : i32
      %dma_wait3A_38 = arith.constant 0 : i32
      %dma_wait3A_39 = tpu.memref_slice %arg2[%mul3A_2, %dma_wait3A_37, %dma_wait3A_38] : memref<4096x2x100xi32, #tpu.memory_space<hbm>> -> memref<128x2x100xi32, #tpu.memory_space<hbm>>
      tpu.wait_dma2 semaphore(%run_scoped3A : memref<!tpu.dma_semaphore, #tpu.memory_space<semaphore_mem>>) src(%dma_wait3A_39 : memref<128x2x100xi32, #tpu.memory_space<hbm>>) dst(%arg5 : memref<128x2x100xi32, #tpu.memory_space<vmem>>)
      tpu.yield
    }) : () -> ()
    %dma_start3A = arith.constant 0 : i32
    %dma_start3A_3 = arith.constant 0 : i32
    %dma_start3A_4 = arith.constant 0 : i32
    %dma_start3A_5 = arith.constant 0 : i32
    %dma_start3A_6 = tpu.memref_slice %arg6[%dma_start3A_4, %dma_start3A_5] : memref<200x128xf32, #tpu.memory_space<vmem>> -> memref<100x128xf32, #tpu.memory_space<vmem>>
    %dma_start3A_7 = arith.constant 0 : i32
    %dma_start3A_8 = tpu.memref_slice %arg5[%dma_start3A, %dma_start3A_3, %dma_start3A_7] : memref<128x2x100xi32, #tpu.memory_space<vmem>> -> memref<1x1x100xi32, #tpu.memory_space<vmem>>
    %dma_start3A_9 = tpu.memref_squeeze %dma_start3A_8 : memref<1x1x100xi32, #tpu.memory_space<vmem>> -> memref<100xi32, #tpu.memory_space<vmem>>
    %dma_start3A_10 = arith.constant 0 : i32
    %dma_start3A_11 = arith.constant 0 : i32
    %dma_start3A_12 = tpu.memref_slice %arg3[%dma_start3A_10, %dma_start3A_11] : memref<1000000x128xf32, #tpu.memory_space<hbm>> -> memref<1000000x128xf32, #tpu.memory_space<hbm>>
    tpu.enqueue_indirect_dma source(%dma_start3A_12 : memref<1000000x128xf32, #tpu.memory_space<hbm>>) target(%dma_start3A_6 : memref<100x128xf32, #tpu.memory_space<vmem>>) offsets(%dma_start3A_9 : memref<100xi32, #tpu.memory_space<vmem>>) semaphore(%arg9 : memref<!tpu.dma_semaphore, #tpu.memory_space<semaphore_mem>>)
    %dma_start3A_13 = arith.constant 0 : i32
    %dma_start3A_14 = arith.constant 1 : i32
    %dma_start3A_15 = arith.constant 100 : i32
    %dma_start3A_16 = arith.constant 0 : i32
    %dma_start3A_17 = tpu.memref_slice %arg6[%dma_start3A_15, %dma_start3A_16] : memref<200x128xf32, #tpu.memory_space<vmem>> -> memref<100x128xf32, #tpu.memory_space<vmem>>
    %dma_start3A_18 = arith.constant 0 : i32
    %dma_start3A_19 = tpu.memref_slice %arg5[%dma_start3A_13, %dma_start3A_14, %dma_start3A_18] : memref<128x2x100xi32, #tpu.memory_space<vmem>> -> memref<1x1x100xi32, #tpu.memory_space<vmem>>
    %dma_start3A_20 = tpu.memref_squeeze %dma_start3A_19 : memref<1x1x100xi32, #tpu.memory_space<vmem>> -> memref<100xi32, #tpu.memory_space<vmem>>
    %dma_start3A_21 = arith.constant 0 : i32
    %dma_start3A_22 = arith.constant 0 : i32
    %dma_start3A_23 = tpu.memref_slice %arg3[%dma_start3A_21, %dma_start3A_22] : memref<1000000x128xf32, #tpu.memory_space<hbm>> -> memref<1000000x128xf32, #tpu.memory_space<hbm>>
    tpu.enqueue_indirect_dma source(%dma_start3A_23 : memref<1000000x128xf32, #tpu.memory_space<hbm>>) target(%dma_start3A_17 : memref<100x128xf32, #tpu.memory_space<vmem>>) offsets(%dma_start3A_20 : memref<100xi32, #tpu.memory_space<vmem>>) semaphore(%arg9 : memref<!tpu.dma_semaphore, #tpu.memory_space<semaphore_mem>>)
    %scan3A = arith.constant 0 : i32
    %scan3A_24 = arith.constant 0 : i32
    %scan3A_25 = arith.constant 64 : i32
    %scan3A_26 = arith.addi %scan3A_24, %scan3A_25 : i32
    %scan3A_27 = arith.constant 1 : i32
    scf.for %scan3A_29 = %scan3A_24 to %scan3A_26 step %scan3A_27  : i32 {
      %mul3A_30 = arith.constant 2 : i32
      %mul3A_31 = arith.muli %mul3A_30, %scan3A_29 : i32
      %add3A_32 = arith.constant 1 : i32
      %add3A_33 = arith.addi %mul3A_31, %add3A_32 : i32
      %dma_start3A_34 = arith.constant 0 : i32
      %dma_start3A_35 = arith.constant 0 : i32
      %dma_start3A_36 = arith.constant 0 : i32
      %dma_start3A_37 = tpu.memref_slice %arg7[%dma_start3A_35, %dma_start3A_36] : memref<200x128xf32, #tpu.memory_space<vmem>> -> memref<100x128xf32, #tpu.memory_space<vmem>>
      %dma_start3A_38 = arith.constant 0 : i32
      %dma_start3A_39 = tpu.memref_slice %arg5[%add3A_33, %dma_start3A_34, %dma_start3A_38] : memref<128x2x100xi32, #tpu.memory_space<vmem>> -> memref<1x1x100xi32, #tpu.memory_space<vmem>>
      %dma_start3A_40 = tpu.memref_squeeze %dma_start3A_39 : memref<1x1x100xi32, #tpu.memory_space<vmem>> -> memref<100xi32, #tpu.memory_space<vmem>>
      %dma_start3A_41 = arith.constant 0 : i32
      %dma_start3A_42 = arith.constant 0 : i32
      %dma_start3A_43 = tpu.memref_slice %arg3[%dma_start3A_41, %dma_start3A_42] : memref<1000000x128xf32, #tpu.memory_space<hbm>> -> memref<1000000x128xf32, #tpu.memory_space<hbm>>
      tpu.enqueue_indirect_dma source(%dma_start3A_43 : memref<1000000x128xf32, #tpu.memory_space<hbm>>) target(%dma_start3A_37 : memref<100x128xf32, #tpu.memory_space<vmem>>) offsets(%dma_start3A_40 : memref<100xi32, #tpu.memory_space<vmem>>) semaphore(%arg10 : memref<!tpu.dma_semaphore, #tpu.memory_space<semaphore_mem>>)
      %dma_start3A_44 = arith.constant 1 : i32
      %dma_start3A_45 = arith.constant 100 : i32
      %dma_start3A_46 = arith.constant 0 : i32
      %dma_start3A_47 = tpu.memref_slice %arg7[%dma_start3A_45, %dma_start3A_46] : memref<200x128xf32, #tpu.memory_space<vmem>> -> memref<100x128xf32, #tpu.memory_space<vmem>>
      %dma_start3A_48 = arith.constant 0 : i32
      %dma_start3A_49 = tpu.memref_slice %arg5[%add3A_33, %dma_start3A_44, %dma_start3A_48] : memref<128x2x100xi32, #tpu.memory_space<vmem>> -> memref<1x1x100xi32, #tpu.memory_space<vmem>>
      %dma_start3A_50 = tpu.memref_squeeze %dma_start3A_49 : memref<1x1x100xi32, #tpu.memory_space<vmem>> -> memref<100xi32, #tpu.memory_space<vmem>>
      %dma_start3A_51 = arith.constant 0 : i32
      %dma_start3A_52 = arith.constant 0 : i32
      %dma_start3A_53 = tpu.memref_slice %arg3[%dma_start3A_51, %dma_start3A_52] : memref<1000000x128xf32, #tpu.memory_space<hbm>> -> memref<1000000x128xf32, #tpu.memory_space<hbm>>
      tpu.enqueue_indirect_dma source(%dma_start3A_53 : memref<1000000x128xf32, #tpu.memory_space<hbm>>) target(%dma_start3A_47 : memref<100x128xf32, #tpu.memory_space<vmem>>) offsets(%dma_start3A_50 : memref<100xi32, #tpu.memory_space<vmem>>) semaphore(%arg10 : memref<!tpu.dma_semaphore, #tpu.memory_space<semaphore_mem>>)
      %dma_wait3A = arith.constant 0 : i32
      %dma_wait3A_54 = arith.constant 0 : i32
      %dma_wait3A_55 = tpu.memref_slice %arg3[%dma_wait3A, %dma_wait3A_54] : memref<1000000x128xf32, #tpu.memory_space<hbm>> -> memref<200x128xf32, #tpu.memory_space<hbm>>
      %dma_wait3A_56 = arith.constant 0 : i32
      %dma_wait3A_57 = arith.constant 0 : i32
      %dma_wait3A_58 = tpu.memref_slice %arg3[%dma_wait3A_56, %dma_wait3A_57] : memref<1000000x128xf32, #tpu.memory_space<hbm>> -> memref<200x128xf32, #tpu.memory_space<hbm>>
      tpu.wait_dma2 semaphore(%arg9 : memref<!tpu.dma_semaphore, #tpu.memory_space<semaphore_mem>>) src(%dma_wait3A_58 : memref<200x128xf32, #tpu.memory_space<hbm>>) dst(%arg6 : memref<200x128xf32, #tpu.memory_space<vmem>>)
      %broadcast_in_dim3A = arith.constant 0.000000e+00 : f32
      %broadcast_in_dim3A_59 = vector.broadcast %broadcast_in_dim3A : f32 to vector<16xf32>
      %broadcast_in_dim3A_60 = arith.constant 0.000000e+00 : f32
      %broadcast_in_dim3A_61 = vector.broadcast %broadcast_in_dim3A_60 : f32 to vector<16xf32>
      %broadcast_in_dim3A_62 = arith.constant 0.000000e+00 : f32
      %broadcast_in_dim3A_63 = vector.broadcast %broadcast_in_dim3A_62 : f32 to vector<16xf32>
      %broadcast_in_dim3A_64 = arith.constant 0.000000e+00 : f32
      %broadcast_in_dim3A_65 = vector.broadcast %broadcast_in_dim3A_64 : f32 to vector<16xf32>
      %broadcast_in_dim3A_66 = arith.constant 0.000000e+00 : f32
      %broadcast_in_dim3A_67 = vector.broadcast %broadcast_in_dim3A_66 : f32 to vector<16xf32>
      %broadcast_in_dim3A_68 = arith.constant 0.000000e+00 : f32
      %broadcast_in_dim3A_69 = vector.broadcast %broadcast_in_dim3A_68 : f32 to vector<16xf32>
      %broadcast_in_dim3A_70 = arith.constant 0.000000e+00 : f32
      %broadcast_in_dim3A_71 = vector.broadcast %broadcast_in_dim3A_70 : f32 to vector<16xf32>
      %broadcast_in_dim3A_72 = arith.constant 0.000000e+00 : f32
      %broadcast_in_dim3A_73 = vector.broadcast %broadcast_in_dim3A_72 : f32 to vector<16xf32>
      %scan3A_74 = arith.constant 0 : i32
      %scan3A_75 = arith.constant 200 : i32
      %scan3A_76 = arith.addi %scan3A_74, %scan3A_75 : i32
      %scan3A_77 = arith.constant 8 : i32
      %scan3A_78:8 = scf.for %scan3A_239 = %scan3A_74 to %scan3A_76 step %scan3A_77 iter_args(%scan3A_240 = %broadcast_in_dim3A_59, %scan3A_241 = %broadcast_in_dim3A_61, %scan3A_242 = %broadcast_in_dim3A_63, %scan3A_243 = %broadcast_in_dim3A_65, %scan3A_244 = %broadcast_in_dim3A_67, %scan3A_245 = %broadcast_in_dim3A_69, %scan3A_246 = %broadcast_in_dim3A_71, %scan3A_247 = %broadcast_in_dim3A_73) -> (vector<16xf32>, vector<16xf32>, vector<16xf32>, vector<16xf32>, vector<16xf32>, vector<16xf32>, vector<16xf32>, vector<16xf32>)  : i32 {
        %get3A = arith.index_cast %scan3A_239 : i32 to index
        %get3A_248 = arith.constant 0 : index
        %get3A_249 = tpu.vector_load %arg6[%get3A, %get3A_248] {strides = array<i32>} : memref<200x128xf32, #tpu.memory_space<vmem>>, vector<1x16xf32>,
        %get3A_250 = vector.shape_cast %get3A_249 : vector<1x16xf32> to vector<16xf32>
        %add3A_251 = arith.addf %scan3A_240, %get3A_250 : vector<16xf32>
        %get3A_252 = arith.index_cast %scan3A_239 : i32 to index
        %get3A_253 = arith.constant 16 : index
        %get3A_254 = tpu.vector_load %arg6[%get3A_252, %get3A_253] {strides = array<i32>} : memref<200x128xf32, #tpu.memory_space<vmem>>, vector<1x16xf32>,
        %get3A_255 = vector.shape_cast %get3A_254 : vector<1x16xf32> to vector<16xf32>
        %add3A_256 = arith.addf %scan3A_241, %get3A_255 : vector<16xf32>
        %get3A_257 = arith.index_cast %scan3A_239 : i32 to index
        %get3A_258 = arith.constant 32 : index
        %get3A_259 = tpu.vector_load %arg6[%get3A_257, %get3A_258] {strides = array<i32>} : memref<200x128xf32, #tpu.memory_space<vmem>>, vector<1x16xf32>,
        %get3A_260 = vector.shape_cast %get3A_259 : vector<1x16xf32> to vector<16xf32>
        %add3A_261 = arith.addf %scan3A_242, %get3A_260 : vector<16xf32>
        %get3A_262 = arith.index_cast %scan3A_239 : i32 to index
        %get3A_263 = arith.constant 48 : index
        %get3A_264 = tpu.vector_load %arg6[%get3A_262, %get3A_263] {strides = array<i32>} : memref<200x128xf32, #tpu.memory_space<vmem>>, vector<1x16xf32>,
        %get3A_265 = vector.shape_cast %get3A_264 : vector<1x16xf32> to vector<16xf32>
        %add3A_266 = arith.addf %scan3A_243, %get3A_265 : vector<16xf32>
        %get3A_267 = arith.index_cast %scan3A_239 : i32 to index
        %get3A_268 = arith.constant 64 : index
        %get3A_269 = tpu.vector_load %arg6[%get3A_267, %get3A_268] {strides = array<i32>} : memref<200x128xf32, #tpu.memory_space<vmem>>, vector<1x16xf32>,
        %get3A_270 = vector.shape_cast %get3A_269 : vector<1x16xf32> to vector<16xf32>
        %add3A_271 = arith.addf %scan3A_244, %get3A_270 : vector<16xf32>
        %get3A_272 = arith.index_cast %scan3A_239 : i32 to index
        %get3A_273 = arith.constant 80 : index
        %get3A_274 = tpu.vector_load %arg6[%get3A_272, %get3A_273] {strides = array<i32>} : memref<200x128xf32, #tpu.memory_space<vmem>>, vector<1x16xf32>,
        %get3A_275 = vector.shape_cast %get3A_274 : vector<1x16xf32> to vector<16xf32>
        %add3A_276 = arith.addf %scan3A_245, %get3A_275 : vector<16xf32>
        %get3A_277 = arith.index_cast %scan3A_239 : i32 to index
        %get3A_278 = arith.constant 96 : index
        %get3A_279 = tpu.vector_load %arg6[%get3A_277, %get3A_278] {strides = array<i32>} : memref<200x128xf32, #tpu.memory_space<vmem>>, vector<1x16xf32>,
        %get3A_280 = vector.shape_cast %get3A_279 : vector<1x16xf32> to vector<16xf32>
        %add3A_281 = arith.addf %scan3A_246, %get3A_280 : vector<16xf32>
        %get3A_282 = arith.index_cast %scan3A_239 : i32 to index
        %get3A_283 = arith.constant 112 : index
        %get3A_284 = tpu.vector_load %arg6[%get3A_282, %get3A_283] {strides = array<i32>} : memref<200x128xf32, #tpu.memory_space<vmem>>, vector<1x16xf32>,
        %get3A_285 = vector.shape_cast %get3A_284 : vector<1x16xf32> to vector<16xf32>
        %add3A_286 = arith.addf %scan3A_247, %get3A_285 : vector<16xf32>
        %scan3A_287 = arith.constant 1 : i32
        %scan3A_288 = arith.addi %scan3A_239, %scan3A_287 : i32
        %get3A_289 = arith.index_cast %scan3A_288 : i32 to index
        %get3A_290 = arith.constant 0 : index
        %get3A_291 = tpu.vector_load %arg6[%get3A_289, %get3A_290] {strides = array<i32>} : memref<200x128xf32, #tpu.memory_space<vmem>>, vector<1x16xf32>,
        %get3A_292 = vector.shape_cast %get3A_291 : vector<1x16xf32> to vector<16xf32>
        %add3A_293 = arith.addf %add3A_251, %get3A_292 : vector<16xf32>
        %get3A_294 = arith.index_cast %scan3A_288 : i32 to index
        %get3A_295 = arith.constant 16 : index
        %get3A_296 = tpu.vector_load %arg6[%get3A_294, %get3A_295] {strides = array<i32>} : memref<200x128xf32, #tpu.memory_space<vmem>>, vector<1x16xf32>,
        %get3A_297 = vector.shape_cast %get3A_296 : vector<1x16xf32> to vector<16xf32>
        %add3A_298 = arith.addf %add3A_256, %get3A_297 : vector<16xf32>
        %get3A_299 = arith.index_cast %scan3A_288 : i32 to index
        %get3A_300 = arith.constant 32 : index
        %get3A_301 = tpu.vector_load %arg6[%get3A_299, %get3A_300] {strides = array<i32>} : memref<200x128xf32, #tpu.memory_space<vmem>>, vector<1x16xf32>,
        %get3A_302 = vector.shape_cast %get3A_301 : vector<1x16xf32> to vector<16xf32>
        %add3A_303 = arith.addf %add3A_261, %get3A_302 : vector<16xf32>
        %get3A_304 = arith.index_cast %scan3A_288 : i32 to index
        %get3A_305 = arith.constant 48 : index
        %get3A_306 = tpu.vector_load %arg6[%get3A_304, %get3A_305] {strides = array<i32>} : memref<200x128xf32, #tpu.memory_space<vmem>>, vector<1x16xf32>,
        %get3A_307 = vector.shape_cast %get3A_306 : vector<1x16xf32> to vector<16xf32>
        %add3A_308 = arith.addf %add3A_266, %get3A_307 : vector<16xf32>
        %get3A_309 = arith.index_cast %scan3A_288 : i32 to index
        %get3A_310 = arith.constant 64 : index
        %get3A_311 = tpu.vector_load %arg6[%get3A_309, %get3A_310] {strides = array<i32>} : memref<200x128xf32, #tpu.memory_space<vmem>>, vector<1x16xf32>,
        %get3A_312 = vector.shape_cast %get3A_311 : vector<1x16xf32> to vector<16xf32>
        %add3A_313 = arith.addf %add3A_271, %get3A_312 : vector<16xf32>
        %get3A_314 = arith.index_cast %scan3A_288 : i32 to index
        %get3A_315 = arith.constant 80 : index
        %get3A_316 = tpu.vector_load %arg6[%get3A_314, %get3A_315] {strides = array<i32>} : memref<200x128xf32, #tpu.memory_space<vmem>>, vector<1x16xf32>,
        %get3A_317 = vector.shape_cast %get3A_316 : vector<1x16xf32> to vector<16xf32>
        %add3A_318 = arith.addf %add3A_276, %get3A_317 : vector<16xf32>
        %get3A_319 = arith.index_cast %scan3A_288 : i32 to index
        %get3A_320 = arith.constant 96 : index
        %get3A_321 = tpu.vector_load %arg6[%get3A_319, %get3A_320] {strides = array<i32>} : memref<200x128xf32, #tpu.memory_space<vmem>>, vector<1x16xf32>,
        %get3A_322 = vector.shape_cast %get3A_321 : vector<1x16xf32> to vector<16xf32>
        %add3A_323 = arith.addf %add3A_281, %get3A_322 : vector<16xf32>
        %get3A_324 = arith.index_cast %scan3A_288 : i32 to index
        %get3A_325 = arith.constant 112 : index
        %get3A_326 = tpu.vector_load %arg6[%get3A_324, %get3A_325] {strides = array<i32>} : memref<200x128xf32, #tpu.memory_space<vmem>>, vector<1x16xf32>,
        %get3A_327 = vector.shape_cast %get3A_326 : vector<1x16xf32> to vector<16xf32>
        %add3A_328 = arith.addf %add3A_286, %get3A_327 : vector<16xf32>
        %scan3A_329 = arith.constant 2 : i32
        %scan3A_330 = arith.addi %scan3A_239, %scan3A_329 : i32
        %get3A_331 = arith.index_cast %scan3A_330 : i32 to index
        %get3A_332 = arith.constant 0 : index
        %get3A_333 = tpu.vector_load %arg6[%get3A_331, %get3A_332] {strides = array<i32>} : memref<200x128xf32, #tpu.memory_space<vmem>>, vector<1x16xf32>,
        %get3A_334 = vector.shape_cast %get3A_333 : vector<1x16xf32> to vector<16xf32>
        %add3A_335 = arith.addf %add3A_293, %get3A_334 : vector<16xf32>
        %get3A_336 = arith.index_cast %scan3A_330 : i32 to index
        %get3A_337 = arith.constant 16 : index
        %get3A_338 = tpu.vector_load %arg6[%get3A_336, %get3A_337] {strides = array<i32>} : memref<200x128xf32, #tpu.memory_space<vmem>>, vector<1x16xf32>,
        %get3A_339 = vector.shape_cast %get3A_338 : vector<1x16xf32> to vector<16xf32>
        %add3A_340 = arith.addf %add3A_298, %get3A_339 : vector<16xf32>
        %get3A_341 = arith.index_cast %scan3A_330 : i32 to index
        %get3A_342 = arith.constant 32 : index
        %get3A_343 = tpu.vector_load %arg6[%get3A_341, %get3A_342] {strides = array<i32>} : memref<200x128xf32, #tpu.memory_space<vmem>>, vector<1x16xf32>,
        %get3A_344 = vector.shape_cast %get3A_343 : vector<1x16xf32> to vector<16xf32>
        %add3A_345 = arith.addf %add3A_303, %get3A_344 : vector<16xf32>
        %get3A_346 = arith.index_cast %scan3A_330 : i32 to index
        %get3A_347 = arith.constant 48 : index
        %get3A_348 = tpu.vector_load %arg6[%get3A_346, %get3A_347] {strides = array<i32>} : memref<200x128xf32, #tpu.memory_space<vmem>>, vector<1x16xf32>,
        %get3A_349 = vector.shape_cast %get3A_348 : vector<1x16xf32> to vector<16xf32>
        %add3A_350 = arith.addf %add3A_308, %get3A_349 : vector<16xf32>
        %get3A_351 = arith.index_cast %scan3A_330 : i32 to index
        %get3A_352 = arith.constant 64 : index
        %get3A_353 = tpu.vector_load %arg6[%get3A_351, %get3A_352] {strides = array<i32>} : memref<200x128xf32, #tpu.memory_space<vmem>>, vector<1x16xf32>,
        %get3A_354 = vector.shape_cast %get3A_353 : vector<1x16xf32> to vector<16xf32>
        %add3A_355 = arith.addf %add3A_313, %get3A_354 : vector<16xf32>
        %get3A_356 = arith.index_cast %scan3A_330 : i32 to index
        %get3A_357 = arith.constant 80 : index
        %get3A_358 = tpu.vector_load %arg6[%get3A_356, %get3A_357] {strides = array<i32>} : memref<200x128xf32, #tpu.memory_space<vmem>>, vector<1x16xf32>,
        %get3A_359 = vector.shape_cast %get3A_358 : vector<1x16xf32> to vector<16xf32>
        %add3A_360 = arith.addf %add3A_318, %get3A_359 : vector<16xf32>
        %get3A_361 = arith.index_cast %scan3A_330 : i32 to index
        %get3A_362 = arith.constant 96 : index
        %get3A_363 = tpu.vector_load %arg6[%get3A_361, %get3A_362] {strides = array<i32>} : memref<200x128xf32, #tpu.memory_space<vmem>>, vector<1x16xf32>,
        %get3A_364 = vector.shape_cast %get3A_363 : vector<1x16xf32> to vector<16xf32>
        %add3A_365 = arith.addf %add3A_323, %get3A_364 : vector<16xf32>
        %get3A_366 = arith.index_cast %scan3A_330 : i32 to index
        %get3A_367 = arith.constant 112 : index
        %get3A_368 = tpu.vector_load %arg6[%get3A_366, %get3A_367] {strides = array<i32>} : memref<200x128xf32, #tpu.memory_space<vmem>>, vector<1x16xf32>,
        %get3A_369 = vector.shape_cast %get3A_368 : vector<1x16xf32> to vector<16xf32>
        %add3A_370 = arith.addf %add3A_328, %get3A_369 : vector<16xf32>
        %scan3A_371 = arith.constant 3 : i32
        %scan3A_372 = arith.addi %scan3A_239, %scan3A_371 : i32
        %get3A_373 = arith.index_cast %scan3A_372 : i32 to index
        %get3A_374 = arith.constant 0 : index
        %get3A_375 = tpu.vector_load %arg6[%get3A_373, %get3A_374] {strides = array<i32>} : memref<200x128xf32, #tpu.memory_space<vmem>>, vector<1x16xf32>,
        %get3A_376 = vector.shape_cast %get3A_375 : vector<1x16xf32> to vector<16xf32>
        %add3A_377 = arith.addf %add3A_335, %get3A_376 : vector<16xf32>
        %get3A_378 = arith.index_cast %scan3A_372 : i32 to index
        %get3A_379 = arith.constant 16 : index
        %get3A_380 = tpu.vector_load %arg6[%get3A_378, %get3A_379] {strides = array<i32>} : memref<200x128xf32, #tpu.memory_space<vmem>>, vector<1x16xf32>,
        %get3A_381 = vector.shape_cast %get3A_380 : vector<1x16xf32> to vector<16xf32>
        %add3A_382 = arith.addf %add3A_340, %get3A_381 : vector<16xf32>
        %get3A_383 = arith.index_cast %scan3A_372 : i32 to index
        %get3A_384 = arith.constant 32 : index
        %get3A_385 = tpu.vector_load %arg6[%get3A_383, %get3A_384] {strides = array<i32>} : memref<200x128xf32, #tpu.memory_space<vmem>>, vector<1x16xf32>,
        %get3A_386 = vector.shape_cast %get3A_385 : vector<1x16xf32> to vector<16xf32>
        %add3A_387 = arith.addf %add3A_345, %get3A_386 : vector<16xf32>
        %get3A_388 = arith.index_cast %scan3A_372 : i32 to index
        %get3A_389 = arith.constant 48 : index
        %get3A_390 = tpu.vector_load %arg6[%get3A_388, %get3A_389] {strides = array<i32>} : memref<200x128xf32, #tpu.memory_space<vmem>>, vector<1x16xf32>,
        %get3A_391 = vector.shape_cast %get3A_390 : vector<1x16xf32> to vector<16xf32>
        %add3A_392 = arith.addf %add3A_350, %get3A_391 : vector<16xf32>
        %get3A_393 = arith.index_cast %scan3A_372 : i32 to index
        %get3A_394 = arith.constant 64 : index
        %get3A_395 = tpu.vector_load %arg6[%get3A_393, %get3A_394] {strides = array<i32>} : memref<200x128xf32, #tpu.memory_space<vmem>>, vector<1x16xf32>,
        %get3A_396 = vector.shape_cast %get3A_395 : vector<1x16xf32> to vector<16xf32>
        %add3A_397 = arith.addf %add3A_355, %get3A_396 : vector<16xf32>
        %get3A_398 = arith.index_cast %scan3A_372 : i32 to index
        %get3A_399 = arith.constant 80 : index
        %get3A_400 = tpu.vector_load %arg6[%get3A_398, %get3A_399] {strides = array<i32>} : memref<200x128xf32, #tpu.memory_space<vmem>>, vector<1x16xf32>,
        %get3A_401 = vector.shape_cast %get3A_400 : vector<1x16xf32> to vector<16xf32>
        %add3A_402 = arith.addf %add3A_360, %get3A_401 : vector<16xf32>
        %get3A_403 = arith.index_cast %scan3A_372 : i32 to index
        %get3A_404 = arith.constant 96 : index
        %get3A_405 = tpu.vector_load %arg6[%get3A_403, %get3A_404] {strides = array<i32>} : memref<200x128xf32, #tpu.memory_space<vmem>>, vector<1x16xf32>,
        %get3A_406 = vector.shape_cast %get3A_405 : vector<1x16xf32> to vector<16xf32>
        %add3A_407 = arith.addf %add3A_365, %get3A_406 : vector<16xf32>
        %get3A_408 = arith.index_cast %scan3A_372 : i32 to index
        %get3A_409 = arith.constant 112 : index
        %get3A_410 = tpu.vector_load %arg6[%get3A_408, %get3A_409] {strides = array<i32>} : memref<200x128xf32, #tpu.memory_space<vmem>>, vector<1x16xf32>,
        %get3A_411 = vector.shape_cast %get3A_410 : vector<1x16xf32> to vector<16xf32>
        %add3A_412 = arith.addf %add3A_370, %get3A_411 : vector<16xf32>
        %scan3A_413 = arith.constant 4 : i32
        %scan3A_414 = arith.addi %scan3A_239, %scan3A_413 : i32
        %get3A_415 = arith.index_cast %scan3A_414 : i32 to index
        %get3A_416 = arith.constant 0 : index
        %get3A_417 = tpu.vector_load %arg6[%get3A_415, %get3A_416] {strides = array<i32>} : memref<200x128xf32, #tpu.memory_space<vmem>>, vector<1x16xf32>,
        %get3A_418 = vector.shape_cast %get3A_417 : vector<1x16xf32> to vector<16xf32>
        %add3A_419 = arith.addf %add3A_377, %get3A_418 : vector<16xf32>
        %get3A_420 = arith.index_cast %scan3A_414 : i32 to index
        %get3A_421 = arith.constant 16 : index
        %get3A_422 = tpu.vector_load %arg6[%get3A_420, %get3A_421] {strides = array<i32>} : memref<200x128xf32, #tpu.memory_space<vmem>>, vector<1x16xf32>,
        %get3A_423 = vector.shape_cast %get3A_422 : vector<1x16xf32> to vector<16xf32>
        %add3A_424 = arith.addf %add3A_382, %get3A_423 : vector<16xf32>
        %get3A_425 = arith.index_cast %scan3A_414 : i32 to index
        %get3A_426 = arith.constant 32 : index
        %get3A_427 = tpu.vector_load %arg6[%get3A_425, %get3A_426] {strides = array<i32>} : memref<200x128xf32, #tpu.memory_space<vmem>>, vector<1x16xf32>,
        %get3A_428 = vector.shape_cast %get3A_427 : vector<1x16xf32> to vector<16xf32>
        %add3A_429 = arith.addf %add3A_387, %get3A_428 : vector<16xf32>
        %get3A_430 = arith.index_cast %scan3A_414 : i32 to index
        %get3A_431 = arith.constant 48 : index
        %get3A_432 = tpu.vector_load %arg6[%get3A_430, %get3A_431] {strides = array<i32>} : memref<200x128xf32, #tpu.memory_space<vmem>>, vector<1x16xf32>,
        %get3A_433 = vector.shape_cast %get3A_432 : vector<1x16xf32> to vector<16xf32>
        %add3A_434 = arith.addf %add3A_392, %get3A_433 : vector<16xf32>
        %get3A_435 = arith.index_cast %scan3A_414 : i32 to index
        %get3A_436 = arith.constant 64 : index
        %get3A_437 = tpu.vector_load %arg6[%get3A_435, %get3A_436] {strides = array<i32>} : memref<200x128xf32, #tpu.memory_space<vmem>>, vector<1x16xf32>,
        %get3A_438 = vector.shape_cast %get3A_437 : vector<1x16xf32> to vector<16xf32>
        %add3A_439 = arith.addf %add3A_397, %get3A_438 : vector<16xf32>
        %get3A_440 = arith.index_cast %scan3A_414 : i32 to index
        %get3A_441 = arith.constant 80 : index
        %get3A_442 = tpu.vector_load %arg6[%get3A_440, %get3A_441] {strides = array<i32>} : memref<200x128xf32, #tpu.memory_space<vmem>>, vector<1x16xf32>,
        %get3A_443 = vector.shape_cast %get3A_442 : vector<1x16xf32> to vector<16xf32>
        %add3A_444 = arith.addf %add3A_402, %get3A_443 : vector<16xf32>
        %get3A_445 = arith.index_cast %scan3A_414 : i32 to index
        %get3A_446 = arith.constant 96 : index
        %get3A_447 = tpu.vector_load %arg6[%get3A_445, %get3A_446] {strides = array<i32>} : memref<200x128xf32, #tpu.memory_space<vmem>>, vector<1x16xf32>,
        %get3A_448 = vector.shape_cast %get3A_447 : vector<1x16xf32> to vector<16xf32>
        %add3A_449 = arith.addf %add3A_407, %get3A_448 : vector<16xf32>
        %get3A_450 = arith.index_cast %scan3A_414 : i32 to index
        %get3A_451 = arith.constant 112 : index
        %get3A_452 = tpu.vector_load %arg6[%get3A_450, %get3A_451] {strides = array<i32>} : memref<200x128xf32, #tpu.memory_space<vmem>>, vector<1x16xf32>,
        %get3A_453 = vector.shape_cast %get3A_452 : vector<1x16xf32> to vector<16xf32>
        %add3A_454 = arith.addf %add3A_412, %get3A_453 : vector<16xf32>
        %scan3A_455 = arith.constant 5 : i32
        %scan3A_456 = arith.addi %scan3A_239, %scan3A_455 : i32
        %get3A_457 = arith.index_cast %scan3A_456 : i32 to index
        %get3A_458 = arith.constant 0 : index
        %get3A_459 = tpu.vector_load %arg6[%get3A_457, %get3A_458] {strides = array<i32>} : memref<200x128xf32, #tpu.memory_space<vmem>>, vector<1x16xf32>,
        %get3A_460 = vector.shape_cast %get3A_459 : vector<1x16xf32> to vector<16xf32>
        %add3A_461 = arith.addf %add3A_419, %get3A_460 : vector<16xf32>
        %get3A_462 = arith.index_cast %scan3A_456 : i32 to index
        %get3A_463 = arith.constant 16 : index
        %get3A_464 = tpu.vector_load %arg6[%get3A_462, %get3A_463] {strides = array<i32>} : memref<200x128xf32, #tpu.memory_space<vmem>>, vector<1x16xf32>,
        %get3A_465 = vector.shape_cast %get3A_464 : vector<1x16xf32> to vector<16xf32>
        %add3A_466 = arith.addf %add3A_424, %get3A_465 : vector<16xf32>
        %get3A_467 = arith.index_cast %scan3A_456 : i32 to index
        %get3A_468 = arith.constant 32 : index
        %get3A_469 = tpu.vector_load %arg6[%get3A_467, %get3A_468] {strides = array<i32>} : memref<200x128xf32, #tpu.memory_space<vmem>>, vector<1x16xf32>,
        %get3A_470 = vector.shape_cast %get3A_469 : vector<1x16xf32> to vector<16xf32>
        %add3A_471 = arith.addf %add3A_429, %get3A_470 : vector<16xf32>
        %get3A_472 = arith.index_cast %scan3A_456 : i32 to index
        %get3A_473 = arith.constant 48 : index
        %get3A_474 = tpu.vector_load %arg6[%get3A_472, %get3A_473] {strides = array<i32>} : memref<200x128xf32, #tpu.memory_space<vmem>>, vector<1x16xf32>,
        %get3A_475 = vector.shape_cast %get3A_474 : vector<1x16xf32> to vector<16xf32>
        %add3A_476 = arith.addf %add3A_434, %get3A_475 : vector<16xf32>
        %get3A_477 = arith.index_cast %scan3A_456 : i32 to index
        %get3A_478 = arith.constant 64 : index
        %get3A_479 = tpu.vector_load %arg6[%get3A_477, %get3A_478] {strides = array<i32>} : memref<200x128xf32, #tpu.memory_space<vmem>>, vector<1x16xf32>,
        %get3A_480 = vector.shape_cast %get3A_479 : vector<1x16xf32> to vector<16xf32>
        %add3A_481 = arith.addf %add3A_439, %get3A_480 : vector<16xf32>
        %get3A_482 = arith.index_cast %scan3A_456 : i32 to index
        %get3A_483 = arith.constant 80 : index
        %get3A_484 = tpu.vector_load %arg6[%get3A_482, %get3A_483] {strides = array<i32>} : memref<200x128xf32, #tpu.memory_space<vmem>>, vector<1x16xf32>,
        %get3A_485 = vector.shape_cast %get3A_484 : vector<1x16xf32> to vector<16xf32>
        %add3A_486 = arith.addf %add3A_444, %get3A_485 : vector<16xf32>
        %get3A_487 = arith.index_cast %scan3A_456 : i32 to index
        %get3A_488 = arith.constant 96 : index
        %get3A_489 = tpu.vector_load %arg6[%get3A_487, %get3A_488] {strides = array<i32>} : memref<200x128xf32, #tpu.memory_space<vmem>>, vector<1x16xf32>,
        %get3A_490 = vector.shape_cast %get3A_489 : vector<1x16xf32> to vector<16xf32>
        %add3A_491 = arith.addf %add3A_449, %get3A_490 : vector<16xf32>
        %get3A_492 = arith.index_cast %scan3A_456 : i32 to index
        %get3A_493 = arith.constant 112 : index
        %get3A_494 = tpu.vector_load %arg6[%get3A_492, %get3A_493] {strides = array<i32>} : memref<200x128xf32, #tpu.memory_space<vmem>>, vector<1x16xf32>,
        %get3A_495 = vector.shape_cast %get3A_494 : vector<1x16xf32> to vector<16xf32>
        %add3A_496 = arith.addf %add3A_454, %get3A_495 : vector<16xf32>
        %scan3A_497 = arith.constant 6 : i32
        %scan3A_498 = arith.addi %scan3A_239, %scan3A_497 : i32
        %get3A_499 = arith.index_cast %scan3A_498 : i32 to index
        %get3A_500 = arith.constant 0 : index
        %get3A_501 = tpu.vector_load %arg6[%get3A_499, %get3A_500] {strides = array<i32>} : memref<200x128xf32, #tpu.memory_space<vmem>>, vector<1x16xf32>,
        %get3A_502 = vector.shape_cast %get3A_501 : vector<1x16xf32> to vector<16xf32>
        %add3A_503 = arith.addf %add3A_461, %get3A_502 : vector<16xf32>
        %get3A_504 = arith.index_cast %scan3A_498 : i32 to index
        %get3A_505 = arith.constant 16 : index
        %get3A_506 = tpu.vector_load %arg6[%get3A_504, %get3A_505] {strides = array<i32>} : memref<200x128xf32, #tpu.memory_space<vmem>>, vector<1x16xf32>,
        %get3A_507 = vector.shape_cast %get3A_506 : vector<1x16xf32> to vector<16xf32>
        %add3A_508 = arith.addf %add3A_466, %get3A_507 : vector<16xf32>
        %get3A_509 = arith.index_cast %scan3A_498 : i32 to index
        %get3A_510 = arith.constant 32 : index
        %get3A_511 = tpu.vector_load %arg6[%get3A_509, %get3A_510] {strides = array<i32>} : memref<200x128xf32, #tpu.memory_space<vmem>>, vector<1x16xf32>,
        %get3A_512 = vector.shape_cast %get3A_511 : vector<1x16xf32> to vector<16xf32>
        %add3A_513 = arith.addf %add3A_471, %get3A_512 : vector<16xf32>
        %get3A_514 = arith.index_cast %scan3A_498 : i32 to index
        %get3A_515 = arith.constant 48 : index
        %get3A_516 = tpu.vector_load %arg6[%get3A_514, %get3A_515] {strides = array<i32>} : memref<200x128xf32, #tpu.memory_space<vmem>>, vector<1x16xf32>,
        %get3A_517 = vector.shape_cast %get3A_516 : vector<1x16xf32> to vector<16xf32>
        %add3A_518 = arith.addf %add3A_476, %get3A_517 : vector<16xf32>
        %get3A_519 = arith.index_cast %scan3A_498 : i32 to index
        %get3A_520 = arith.constant 64 : index
        %get3A_521 = tpu.vector_load %arg6[%get3A_519, %get3A_520] {strides = array<i32>} : memref<200x128xf32, #tpu.memory_space<vmem>>, vector<1x16xf32>,
        %get3A_522 = vector.shape_cast %get3A_521 : vector<1x16xf32> to vector<16xf32>
        %add3A_523 = arith.addf %add3A_481, %get3A_522 : vector<16xf32>
        %get3A_524 = arith.index_cast %scan3A_498 : i32 to index
        %get3A_525 = arith.constant 80 : index
        %get3A_526 = tpu.vector_load %arg6[%get3A_524, %get3A_525] {strides = array<i32>} : memref<200x128xf32, #tpu.memory_space<vmem>>, vector<1x16xf32>,
        %get3A_527 = vector.shape_cast %get3A_526 : vector<1x16xf32> to vector<16xf32>
        %add3A_528 = arith.addf %add3A_486, %get3A_527 : vector<16xf32>
        %get3A_529 = arith.index_cast %scan3A_498 : i32 to index
        %get3A_530 = arith.constant 96 : index
        %get3A_531 = tpu.vector_load %arg6[%get3A_529, %get3A_530] {strides = array<i32>} : memref<200x128xf32, #tpu.memory_space<vmem>>, vector<1x16xf32>,
        %get3A_532 = vector.shape_cast %get3A_531 : vector<1x16xf32> to vector<16xf32>
        %add3A_533 = arith.addf %add3A_491, %get3A_532 : vector<16xf32>
        %get3A_534 = arith.index_cast %scan3A_498 : i32 to index
        %get3A_535 = arith.constant 112 : index
        %get3A_536 = tpu.vector_load %arg6[%get3A_534, %get3A_535] {strides = array<i32>} : memref<200x128xf32, #tpu.memory_space<vmem>>, vector<1x16xf32>,
        %get3A_537 = vector.shape_cast %get3A_536 : vector<1x16xf32> to vector<16xf32>
        %add3A_538 = arith.addf %add3A_496, %get3A_537 : vector<16xf32>
        %scan3A_539 = arith.constant 7 : i32
        %scan3A_540 = arith.addi %scan3A_239, %scan3A_539 : i32
        %get3A_541 = arith.index_cast %scan3A_540 : i32 to index
        %get3A_542 = arith.constant 0 : index
        %get3A_543 = tpu.vector_load %arg6[%get3A_541, %get3A_542] {strides = array<i32>} : memref<200x128xf32, #tpu.memory_space<vmem>>, vector<1x16xf32>,
        %get3A_544 = vector.shape_cast %get3A_543 : vector<1x16xf32> to vector<16xf32>
        %add3A_545 = arith.addf %add3A_503, %get3A_544 : vector<16xf32>
        %get3A_546 = arith.index_cast %scan3A_540 : i32 to index
        %get3A_547 = arith.constant 16 : index
        %get3A_548 = tpu.vector_load %arg6[%get3A_546, %get3A_547] {strides = array<i32>} : memref<200x128xf32, #tpu.memory_space<vmem>>, vector<1x16xf32>,
        %get3A_549 = vector.shape_cast %get3A_548 : vector<1x16xf32> to vector<16xf32>
        %add3A_550 = arith.addf %add3A_508, %get3A_549 : vector<16xf32>
        %get3A_551 = arith.index_cast %scan3A_540 : i32 to index
        %get3A_552 = arith.constant 32 : index
        %get3A_553 = tpu.vector_load %arg6[%get3A_551, %get3A_552] {strides = array<i32>} : memref<200x128xf32, #tpu.memory_space<vmem>>, vector<1x16xf32>,
        %get3A_554 = vector.shape_cast %get3A_553 : vector<1x16xf32> to vector<16xf32>
        %add3A_555 = arith.addf %add3A_513, %get3A_554 : vector<16xf32>
        %get3A_556 = arith.index_cast %scan3A_540 : i32 to index
        %get3A_557 = arith.constant 48 : index
        %get3A_558 = tpu.vector_load %arg6[%get3A_556, %get3A_557] {strides = array<i32>} : memref<200x128xf32, #tpu.memory_space<vmem>>, vector<1x16xf32>,
        %get3A_559 = vector.shape_cast %get3A_558 : vector<1x16xf32> to vector<16xf32>
        %add3A_560 = arith.addf %add3A_518, %get3A_559 : vector<16xf32>
        %get3A_561 = arith.index_cast %scan3A_540 : i32 to index
        %get3A_562 = arith.constant 64 : index
        %get3A_563 = tpu.vector_load %arg6[%get3A_561, %get3A_562] {strides = array<i32>} : memref<200x128xf32, #tpu.memory_space<vmem>>, vector<1x16xf32>,
        %get3A_564 = vector.shape_cast %get3A_563 : vector<1x16xf32> to vector<16xf32>
        %add3A_565 = arith.addf %add3A_523, %get3A_564 : vector<16xf32>
        %get3A_566 = arith.index_cast %scan3A_540 : i32 to index
        %get3A_567 = arith.constant 80 : index
        %get3A_568 = tpu.vector_load %arg6[%get3A_566, %get3A_567] {strides = array<i32>} : memref<200x128xf32, #tpu.memory_space<vmem>>, vector<1x16xf32>,
        %get3A_569 = vector.shape_cast %get3A_568 : vector<1x16xf32> to vector<16xf32>
        %add3A_570 = arith.addf %add3A_528, %get3A_569 : vector<16xf32>
        %get3A_571 = arith.index_cast %scan3A_540 : i32 to index
        %get3A_572 = arith.constant 96 : index
        %get3A_573 = tpu.vector_load %arg6[%get3A_571, %get3A_572] {strides = array<i32>} : memref<200x128xf32, #tpu.memory_space<vmem>>, vector<1x16xf32>,
        %get3A_574 = vector.shape_cast %get3A_573 : vector<1x16xf32> to vector<16xf32>
        %add3A_575 = arith.addf %add3A_533, %get3A_574 : vector<16xf32>
        %get3A_576 = arith.index_cast %scan3A_540 : i32 to index
        %get3A_577 = arith.constant 112 : index
        %get3A_578 = tpu.vector_load %arg6[%get3A_576, %get3A_577] {strides = array<i32>} : memref<200x128xf32, #tpu.memory_space<vmem>>, vector<1x16xf32>,
        %get3A_579 = vector.shape_cast %get3A_578 : vector<1x16xf32> to vector<16xf32>
        %add3A_580 = arith.addf %add3A_538, %get3A_579 : vector<16xf32>
        scf.yield %add3A_545, %add3A_550, %add3A_555, %add3A_560, %add3A_565, %add3A_570, %add3A_575, %add3A_580 : vector<16xf32>, vector<16xf32>, vector<16xf32>, vector<16xf32>, vector<16xf32>, vector<16xf32>, vector<16xf32>, vector<16xf32>
      }
      %scan3A_79 = arith.constant 200 : i32
      %mul3A_80 = arith.constant 5.000000e-03 : f32
      %mul3A_81 = vector.broadcast %mul3A_80 : f32 to vector<16xf32>
      %mul3A_82 = arith.mulf %scan3A_78#0, %mul3A_81 : vector<16xf32>
      %swap3A = arith.index_cast %mul3A_31 : i32 to index
      %swap3A_83 = arith.constant 0 : index
      %swap3A_84 = tpu.vector_load %arg8[%swap3A, %swap3A_83] {strides = array<i32>} : memref<128x128xf32, #tpu.memory_space<vmem>>, vector<1x16xf32>,
      %swap3A_85 = vector.shape_cast %swap3A_84 : vector<1x16xf32> to vector<16xf32>
      %swap3A_86 = vector.shape_cast %mul3A_82 : vector<16xf32> to vector<1x16xf32>
      tpu.vector_store %arg8[%swap3A, %swap3A_83], %swap3A_86 {strides = array<i32>} : memref<128x128xf32, #tpu.memory_space<vmem>>, vector<1x16xf32>,
      %mul3A_87 = arith.constant 5.000000e-03 : f32
      %mul3A_88 = vector.broadcast %mul3A_87 : f32 to vector<16xf32>
      %mul3A_89 = arith.mulf %scan3A_78#1, %mul3A_88 : vector<16xf32>
      %swap3A_90 = arith.index_cast %mul3A_31 : i32 to index
      %swap3A_91 = arith.constant 16 : index
      %swap3A_92 = tpu.vector_load %arg8[%swap3A_90, %swap3A_91] {strides = array<i32>} : memref<128x128xf32, #tpu.memory_space<vmem>>, vector<1x16xf32>,
      %swap3A_93 = vector.shape_cast %swap3A_92 : vector<1x16xf32> to vector<16xf32>
      %swap3A_94 = vector.shape_cast %mul3A_89 : vector<16xf32> to vector<1x16xf32>
      tpu.vector_store %arg8[%swap3A_90, %swap3A_91], %swap3A_94 {strides = array<i32>} : memref<128x128xf32, #tpu.memory_space<vmem>>, vector<1x16xf32>,
      %mul3A_95 = arith.constant 5.000000e-03 : f32
      %mul3A_96 = vector.broadcast %mul3A_95 : f32 to vector<16xf32>
      %mul3A_97 = arith.mulf %scan3A_78#2, %mul3A_96 : vector<16xf32>
      %swap3A_98 = arith.index_cast %mul3A_31 : i32 to index
      %swap3A_99 = arith.constant 32 : index
      %swap3A_100 = tpu.vector_load %arg8[%swap3A_98, %swap3A_99] {strides = array<i32>} : memref<128x128xf32, #tpu.memory_space<vmem>>, vector<1x16xf32>,
      %swap3A_101 = vector.shape_cast %swap3A_100 : vector<1x16xf32> to vector<16xf32>
      %swap3A_102 = vector.shape_cast %mul3A_97 : vector<16xf32> to vector<1x16xf32>
      tpu.vector_store %arg8[%swap3A_98, %swap3A_99], %swap3A_102 {strides = array<i32>} : memref<128x128xf32, #tpu.memory_space<vmem>>, vector<1x16xf32>,
      %mul3A_103 = arith.constant 5.000000e-03 : f32
      %mul3A_104 = vector.broadcast %mul3A_103 : f32 to vector<16xf32>
      %mul3A_105 = arith.mulf %scan3A_78#3, %mul3A_104 : vector<16xf32>
      %swap3A_106 = arith.index_cast %mul3A_31 : i32 to index
      %swap3A_107 = arith.constant 48 : index
      %swap3A_108 = tpu.vector_load %arg8[%swap3A_106, %swap3A_107] {strides = array<i32>} : memref<128x128xf32, #tpu.memory_space<vmem>>, vector<1x16xf32>,
      %swap3A_109 = vector.shape_cast %swap3A_108 : vector<1x16xf32> to vector<16xf32>
      %swap3A_110 = vector.shape_cast %mul3A_105 : vector<16xf32> to vector<1x16xf32>
      tpu.vector_store %arg8[%swap3A_106, %swap3A_107], %swap3A_110 {strides = array<i32>} : memref<128x128xf32, #tpu.memory_space<vmem>>, vector<1x16xf32>,
      %mul3A_111 = arith.constant 5.000000e-03 : f32
      %mul3A_112 = vector.broadcast %mul3A_111 : f32 to vector<16xf32>
      %mul3A_113 = arith.mulf %scan3A_78#4, %mul3A_112 : vector<16xf32>
      %swap3A_114 = arith.index_cast %mul3A_31 : i32 to index
      %swap3A_115 = arith.constant 64 : index
      %swap3A_116 = tpu.vector_load %arg8[%swap3A_114, %swap3A_115] {strides = array<i32>} : memref<128x128xf32, #tpu.memory_space<vmem>>, vector<1x16xf32>,
      %swap3A_117 = vector.shape_cast %swap3A_116 : vector<1x16xf32> to vector<16xf32>
      %swap3A_118 = vector.shape_cast %mul3A_113 : vector<16xf32> to vector<1x16xf32>
      tpu.vector_store %arg8[%swap3A_114, %swap3A_115], %swap3A_118 {strides = array<i32>} : memref<128x128xf32, #tpu.memory_space<vmem>>, vector<1x16xf32>,
      %mul3A_119 = arith.constant 5.000000e-03 : f32
      %mul3A_120 = vector.broadcast %mul3A_119 : f32 to vector<16xf32>
      %mul3A_121 = arith.mulf %scan3A_78#5, %mul3A_120 : vector<16xf32>
      %swap3A_122 = arith.index_cast %mul3A_31 : i32 to index
      %swap3A_123 = arith.constant 80 : index
      %swap3A_124 = tpu.vector_load %arg8[%swap3A_122, %swap3A_123] {strides = array<i32>} : memref<128x128xf32, #tpu.memory_space<vmem>>, vector<1x16xf32>,
      %swap3A_125 = vector.shape_cast %swap3A_124 : vector<1x16xf32> to vector<16xf32>
      %swap3A_126 = vector.shape_cast %mul3A_121 : vector<16xf32> to vector<1x16xf32>
      tpu.vector_store %arg8[%swap3A_122, %swap3A_123], %swap3A_126 {strides = array<i32>} : memref<128x128xf32, #tpu.memory_space<vmem>>, vector<1x16xf32>,
      %mul3A_127 = arith.constant 5.000000e-03 : f32
      %mul3A_128 = vector.broadcast %mul3A_127 : f32 to vector<16xf32>
      %mul3A_129 = arith.mulf %scan3A_78#6, %mul3A_128 : vector<16xf32>
      %swap3A_130 = arith.index_cast %mul3A_31 : i32 to index
      %swap3A_131 = arith.constant 96 : index
      %swap3A_132 = tpu.vector_load %arg8[%swap3A_130, %swap3A_131] {strides = array<i32>} : memref<128x128xf32, #tpu.memory_space<vmem>>, vector<1x16xf32>,
      %swap3A_133 = vector.shape_cast %swap3A_132 : vector<1x16xf32> to vector<16xf32>
      %swap3A_134 = vector.shape_cast %mul3A_129 : vector<16xf32> to vector<1x16xf32>
      tpu.vector_store %arg8[%swap3A_130, %swap3A_131], %swap3A_134 {strides = array<i32>} : memref<128x128xf32, #tpu.memory_space<vmem>>, vector<1x16xf32>,
      %mul3A_135 = arith.constant 5.000000e-03 : f32
      %mul3A_136 = vector.broadcast %mul3A_135 : f32 to vector<16xf32>
      %mul3A_137 = arith.mulf %scan3A_78#7, %mul3A_136 : vector<16xf32>
      %swap3A_138 = arith.index_cast %mul3A_31 : i32 to index
      %swap3A_139 = arith.constant 112 : index
      %swap3A_140 = tpu.vector_load %arg8[%swap3A_138, %swap3A_139] {strides = array<i32>} : memref<128x128xf32, #tpu.memory_space<vmem>>, vector<1x16xf32>,
      %swap3A_141 = vector.shape_cast %swap3A_140 : vector<1x16xf32> to vector<16xf32>
      %swap3A_142 = vector.shape_cast %mul3A_137 : vector<16xf32> to vector<1x16xf32>
      tpu.vector_store %arg8[%swap3A_138, %swap3A_139], %swap3A_142 {strides = array<i32>} : memref<128x128xf32, #tpu.memory_space<vmem>>, vector<1x16xf32>,
      %add3A_143 = arith.constant 1 : i32
      %add3A_144 = arith.addi %add3A_33, %add3A_143 : i32
      %lt3A = arith.constant 128 : i32
      %lt3A_145 = arith.cmpi slt, %add3A_144, %lt3A : i32
      %convert_element_type3A = arith.extui %lt3A_145 : i1 to i32
      %cond3A = arith.constant 0 : i32
      %cond3A_146 = arith.cmpi ne, %convert_element_type3A, %cond3A : i32
      scf.if %cond3A_146 {
        %add3A_239 = arith.constant 1 : i32
        %add3A_240 = arith.addi %add3A_33, %add3A_239 : i32
        %dma_start3A_241 = arith.constant 0 : i32
        %dma_start3A_242 = arith.constant 0 : i32
        %dma_start3A_243 = arith.constant 0 : i32
        %dma_start3A_244 = tpu.memref_slice %arg6[%dma_start3A_242, %dma_start3A_243] : memref<200x128xf32, #tpu.memory_space<vmem>> -> memref<100x128xf32, #tpu.memory_space<vmem>>
        %dma_start3A_245 = arith.constant 0 : i32
        %dma_start3A_246 = tpu.memref_slice %arg5[%add3A_240, %dma_start3A_241, %dma_start3A_245] : memref<128x2x100xi32, #tpu.memory_space<vmem>> -> memref<1x1x100xi32, #tpu.memory_space<vmem>>
        %dma_start3A_247 = tpu.memref_squeeze %dma_start3A_246 : memref<1x1x100xi32, #tpu.memory_space<vmem>> -> memref<100xi32, #tpu.memory_space<vmem>>
        %dma_start3A_248 = arith.constant 0 : i32
        %dma_start3A_249 = arith.constant 0 : i32
        %dma_start3A_250 = tpu.memref_slice %arg3[%dma_start3A_248, %dma_start3A_249] : memref<1000000x128xf32, #tpu.memory_space<hbm>> -> memref<1000000x128xf32, #tpu.memory_space<hbm>>
        tpu.enqueue_indirect_dma source(%dma_start3A_250 : memref<1000000x128xf32, #tpu.memory_space<hbm>>) target(%dma_start3A_244 : memref<100x128xf32, #tpu.memory_space<vmem>>) offsets(%dma_start3A_247 : memref<100xi32, #tpu.memory_space<vmem>>) semaphore(%arg9 : memref<!tpu.dma_semaphore, #tpu.memory_space<semaphore_mem>>)
        %dma_start3A_251 = arith.constant 1 : i32
        %dma_start3A_252 = arith.constant 100 : i32
        %dma_start3A_253 = arith.constant 0 : i32
        %dma_start3A_254 = tpu.memref_slice %arg6[%dma_start3A_252, %dma_start3A_253] : memref<200x128xf32, #tpu.memory_space<vmem>> -> memref<100x128xf32, #tpu.memory_space<vmem>>
        %dma_start3A_255 = arith.constant 0 : i32
        %dma_start3A_256 = tpu.memref_slice %arg5[%add3A_240, %dma_start3A_251, %dma_start3A_255] : memref<128x2x100xi32, #tpu.memory_space<vmem>> -> memref<1x1x100xi32, #tpu.memory_space<vmem>>
        %dma_start3A_257 = tpu.memref_squeeze %dma_start3A_256 : memref<1x1x100xi32, #tpu.memory_space<vmem>> -> memref<100xi32, #tpu.memory_space<vmem>>
        %dma_start3A_258 = arith.constant 0 : i32
        %dma_start3A_259 = arith.constant 0 : i32
        %dma_start3A_260 = tpu.memref_slice %arg3[%dma_start3A_258, %dma_start3A_259] : memref<1000000x128xf32, #tpu.memory_space<hbm>> -> memref<1000000x128xf32, #tpu.memory_space<hbm>>
        tpu.enqueue_indirect_dma source(%dma_start3A_260 : memref<1000000x128xf32, #tpu.memory_space<hbm>>) target(%dma_start3A_254 : memref<100x128xf32, #tpu.memory_space<vmem>>) offsets(%dma_start3A_257 : memref<100xi32, #tpu.memory_space<vmem>>) semaphore(%arg9 : memref<!tpu.dma_semaphore, #tpu.memory_space<semaphore_mem>>)
      } else {
      }
      %dma_wait3A_147 = arith.constant 0 : i32
      %dma_wait3A_148 = arith.constant 0 : i32
      %dma_wait3A_149 = tpu.memref_slice %arg3[%dma_wait3A_147, %dma_wait3A_148] : memref<1000000x128xf32, #tpu.memory_space<hbm>> -> memref<200x128xf32, #tpu.memory_space<hbm>>
      %dma_wait3A_150 = arith.constant 0 : i32
      %dma_wait3A_151 = arith.constant 0 : i32
      %dma_wait3A_152 = tpu.memref_slice %arg3[%dma_wait3A_150, %dma_wait3A_151] : memref<1000000x128xf32, #tpu.memory_space<hbm>> -> memref<200x128xf32, #tpu.memory_space<hbm>>
      tpu.wait_dma2 semaphore(%arg10 : memref<!tpu.dma_semaphore, #tpu.memory_space<semaphore_mem>>) src(%dma_wait3A_152 : memref<200x128xf32, #tpu.memory_space<hbm>>) dst(%arg7 : memref<200x128xf32, #tpu.memory_space<vmem>>)
      %broadcast_in_dim3A_153 = arith.constant 0.000000e+00 : f32
      %broadcast_in_dim3A_154 = vector.broadcast %broadcast_in_dim3A_153 : f32 to vector<16xf32>
      %broadcast_in_dim3A_155 = arith.constant 0.000000e+00 : f32
      %broadcast_in_dim3A_156 = vector.broadcast %broadcast_in_dim3A_155 : f32 to vector<16xf32>
      %broadcast_in_dim3A_157 = arith.constant 0.000000e+00 : f32
      %broadcast_in_dim3A_158 = vector.broadcast %broadcast_in_dim3A_157 : f32 to vector<16xf32>
      %broadcast_in_dim3A_159 = arith.constant 0.000000e+00 : f32
      %broadcast_in_dim3A_160 = vector.broadcast %broadcast_in_dim3A_159 : f32 to vector<16xf32>
      %broadcast_in_dim3A_161 = arith.constant 0.000000e+00 : f32
      %broadcast_in_dim3A_162 = vector.broadcast %broadcast_in_dim3A_161 : f32 to vector<16xf32>
      %broadcast_in_dim3A_163 = arith.constant 0.000000e+00 : f32
      %broadcast_in_dim3A_164 = vector.broadcast %broadcast_in_dim3A_163 : f32 to vector<16xf32>
      %broadcast_in_dim3A_165 = arith.constant 0.000000e+00 : f32
      %broadcast_in_dim3A_166 = vector.broadcast %broadcast_in_dim3A_165 : f32 to vector<16xf32>
      %broadcast_in_dim3A_167 = arith.constant 0.000000e+00 : f32
      %broadcast_in_dim3A_168 = vector.broadcast %broadcast_in_dim3A_167 : f32 to vector<16xf32>
      %scan3A_169 = arith.constant 0 : i32
      %scan3A_170 = arith.constant 200 : i32
      %scan3A_171 = arith.addi %scan3A_169, %scan3A_170 : i32
      %scan3A_172 = arith.constant 8 : i32
      %scan3A_173:8 = scf.for %scan3A_239 = %scan3A_169 to %scan3A_171 step %scan3A_172 iter_args(%scan3A_240 = %broadcast_in_dim3A_154, %scan3A_241 = %broadcast_in_dim3A_156, %scan3A_242 = %broadcast_in_dim3A_158, %scan3A_243 = %broadcast_in_dim3A_160, %scan3A_244 = %broadcast_in_dim3A_162, %scan3A_245 = %broadcast_in_dim3A_164, %scan3A_246 = %broadcast_in_dim3A_166, %scan3A_247 = %broadcast_in_dim3A_168) -> (vector<16xf32>, vector<16xf32>, vector<16xf32>, vector<16xf32>, vector<16xf32>, vector<16xf32>, vector<16xf32>, vector<16xf32>)  : i32 {
        %get3A = arith.index_cast %scan3A_239 : i32 to index
        %get3A_248 = arith.constant 0 : index
        %get3A_249 = tpu.vector_load %arg7[%get3A, %get3A_248] {strides = array<i32>} : memref<200x128xf32, #tpu.memory_space<vmem>>, vector<1x16xf32>,
        %get3A_250 = vector.shape_cast %get3A_249 : vector<1x16xf32> to vector<16xf32>
        %add3A_251 = arith.addf %scan3A_240, %get3A_250 : vector<16xf32>
        %get3A_252 = arith.index_cast %scan3A_239 : i32 to index
        %get3A_253 = arith.constant 16 : index
        %get3A_254 = tpu.vector_load %arg7[%get3A_252, %get3A_253] {strides = array<i32>} : memref<200x128xf32, #tpu.memory_space<vmem>>, vector<1x16xf32>,
        %get3A_255 = vector.shape_cast %get3A_254 : vector<1x16xf32> to vector<16xf32>
        %add3A_256 = arith.addf %scan3A_241, %get3A_255 : vector<16xf32>
        %get3A_257 = arith.index_cast %scan3A_239 : i32 to index
        %get3A_258 = arith.constant 32 : index
        %get3A_259 = tpu.vector_load %arg7[%get3A_257, %get3A_258] {strides = array<i32>} : memref<200x128xf32, #tpu.memory_space<vmem>>, vector<1x16xf32>,
        %get3A_260 = vector.shape_cast %get3A_259 : vector<1x16xf32> to vector<16xf32>
        %add3A_261 = arith.addf %scan3A_242, %get3A_260 : vector<16xf32>
        %get3A_262 = arith.index_cast %scan3A_239 : i32 to index
        %get3A_263 = arith.constant 48 : index
        %get3A_264 = tpu.vector_load %arg7[%get3A_262, %get3A_263] {strides = array<i32>} : memref<200x128xf32, #tpu.memory_space<vmem>>, vector<1x16xf32>,
        %get3A_265 = vector.shape_cast %get3A_264 : vector<1x16xf32> to vector<16xf32>
        %add3A_266 = arith.addf %scan3A_243, %get3A_265 : vector<16xf32>
        %get3A_267 = arith.index_cast %scan3A_239 : i32 to index
        %get3A_268 = arith.constant 64 : index
        %get3A_269 = tpu.vector_load %arg7[%get3A_267, %get3A_268] {strides = array<i32>} : memref<200x128xf32, #tpu.memory_space<vmem>>, vector<1x16xf32>,
        %get3A_270 = vector.shape_cast %get3A_269 : vector<1x16xf32> to vector<16xf32>
        %add3A_271 = arith.addf %scan3A_244, %get3A_270 : vector<16xf32>
        %get3A_272 = arith.index_cast %scan3A_239 : i32 to index
        %get3A_273 = arith.constant 80 : index
        %get3A_274 = tpu.vector_load %arg7[%get3A_272, %get3A_273] {strides = array<i32>} : memref<200x128xf32, #tpu.memory_space<vmem>>, vector<1x16xf32>,
        %get3A_275 = vector.shape_cast %get3A_274 : vector<1x16xf32> to vector<16xf32>
        %add3A_276 = arith.addf %scan3A_245, %get3A_275 : vector<16xf32>
        %get3A_277 = arith.index_cast %scan3A_239 : i32 to index
        %get3A_278 = arith.constant 96 : index
        %get3A_279 = tpu.vector_load %arg7[%get3A_277, %get3A_278] {strides = array<i32>} : memref<200x128xf32, #tpu.memory_space<vmem>>, vector<1x16xf32>,
        %get3A_280 = vector.shape_cast %get3A_279 : vector<1x16xf32> to vector<16xf32>
        %add3A_281 = arith.addf %scan3A_246, %get3A_280 : vector<16xf32>
        %get3A_282 = arith.index_cast %scan3A_239 : i32 to index
        %get3A_283 = arith.constant 112 : index
        %get3A_284 = tpu.vector_load %arg7[%get3A_282, %get3A_283] {strides = array<i32>} : memref<200x128xf32, #tpu.memory_space<vmem>>, vector<1x16xf32>,
        %get3A_285 = vector.shape_cast %get3A_284 : vector<1x16xf32> to vector<16xf32>
        %add3A_286 = arith.addf %scan3A_247, %get3A_285 : vector<16xf32>
        %scan3A_287 = arith.constant 1 : i32
        %scan3A_288 = arith.addi %scan3A_239, %scan3A_287 : i32
        %get3A_289 = arith.index_cast %scan3A_288 : i32 to index
        %get3A_290 = arith.constant 0 : index
        %get3A_291 = tpu.vector_load %arg7[%get3A_289, %get3A_290] {strides = array<i32>} : memref<200x128xf32, #tpu.memory_space<vmem>>, vector<1x16xf32>,
        %get3A_292 = vector.shape_cast %get3A_291 : vector<1x16xf32> to vector<16xf32>
        %add3A_293 = arith.addf %add3A_251, %get3A_292 : vector<16xf32>
        %get3A_294 = arith.index_cast %scan3A_288 : i32 to index
        %get3A_295 = arith.constant 16 : index
        %get3A_296 = tpu.vector_load %arg7[%get3A_294, %get3A_295] {strides = array<i32>} : memref<200x128xf32, #tpu.memory_space<vmem>>, vector<1x16xf32>,
        %get3A_297 = vector.shape_cast %get3A_296 : vector<1x16xf32> to vector<16xf32>
        %add3A_298 = arith.addf %add3A_256, %get3A_297 : vector<16xf32>
        %get3A_299 = arith.index_cast %scan3A_288 : i32 to index
        %get3A_300 = arith.constant 32 : index
        %get3A_301 = tpu.vector_load %arg7[%get3A_299, %get3A_300] {strides = array<i32>} : memref<200x128xf32, #tpu.memory_space<vmem>>, vector<1x16xf32>,
        %get3A_302 = vector.shape_cast %get3A_301 : vector<1x16xf32> to vector<16xf32>
        %add3A_303 = arith.addf %add3A_261, %get3A_302 : vector<16xf32>
        %get3A_304 = arith.index_cast %scan3A_288 : i32 to index
        %get3A_305 = arith.constant 48 : index
        %get3A_306 = tpu.vector_load %arg7[%get3A_304, %get3A_305] {strides = array<i32>} : memref<200x128xf32, #tpu.memory_space<vmem>>, vector<1x16xf32>,
        %get3A_307 = vector.shape_cast %get3A_306 : vector<1x16xf32> to vector<16xf32>
        %add3A_308 = arith.addf %add3A_266, %get3A_307 : vector<16xf32>
        %get3A_309 = arith.index_cast %scan3A_288 : i32 to index
        %get3A_310 = arith.constant 64 : index
        %get3A_311 = tpu.vector_load %arg7[%get3A_309, %get3A_310] {strides = array<i32>} : memref<200x128xf32, #tpu.memory_space<vmem>>, vector<1x16xf32>,
        %get3A_312 = vector.shape_cast %get3A_311 : vector<1x16xf32> to vector<16xf32>
        %add3A_313 = arith.addf %add3A_271, %get3A_312 : vector<16xf32>
        %get3A_314 = arith.index_cast %scan3A_288 : i32 to index
        %get3A_315 = arith.constant 80 : index
        %get3A_316 = tpu.vector_load %arg7[%get3A_314, %get3A_315] {strides = array<i32>} : memref<200x128xf32, #tpu.memory_space<vmem>>, vector<1x16xf32>,
        %get3A_317 = vector.shape_cast %get3A_316 : vector<1x16xf32> to vector<16xf32>
        %add3A_318 = arith.addf %add3A_276, %get3A_317 : vector<16xf32>
        %get3A_319 = arith.index_cast %scan3A_288 : i32 to index
        %get3A_320 = arith.constant 96 : index
        %get3A_321 = tpu.vector_load %arg7[%get3A_319, %get3A_320] {strides = array<i32>} : memref<200x128xf32, #tpu.memory_space<vmem>>, vector<1x16xf32>,
        %get3A_322 = vector.shape_cast %get3A_321 : vector<1x16xf32> to vector<16xf32>
        %add3A_323 = arith.addf %add3A_281, %get3A_322 : vector<16xf32>
        %get3A_324 = arith.index_cast %scan3A_288 : i32 to index
        %get3A_325 = arith.constant 112 : index
        %get3A_326 = tpu.vector_load %arg7[%get3A_324, %get3A_325] {strides = array<i32>} : memref<200x128xf32, #tpu.memory_space<vmem>>, vector<1x16xf32>,
        %get3A_327 = vector.shape_cast %get3A_326 : vector<1x16xf32> to vector<16xf32>
        %add3A_328 = arith.addf %add3A_286, %get3A_327 : vector<16xf32>
        %scan3A_329 = arith.constant 2 : i32
        %scan3A_330 = arith.addi %scan3A_239, %scan3A_329 : i32
        %get3A_331 = arith.index_cast %scan3A_330 : i32 to index
        %get3A_332 = arith.constant 0 : index
        %get3A_333 = tpu.vector_load %arg7[%get3A_331, %get3A_332] {strides = array<i32>} : memref<200x128xf32, #tpu.memory_space<vmem>>, vector<1x16xf32>,
        %get3A_334 = vector.shape_cast %get3A_333 : vector<1x16xf32> to vector<16xf32>
        %add3A_335 = arith.addf %add3A_293, %get3A_334 : vector<16xf32>
        %get3A_336 = arith.index_cast %scan3A_330 : i32 to index
        %get3A_337 = arith.constant 16 : index
        %get3A_338 = tpu.vector_load %arg7[%get3A_336, %get3A_337] {strides = array<i32>} : memref<200x128xf32, #tpu.memory_space<vmem>>, vector<1x16xf32>,
        %get3A_339 = vector.shape_cast %get3A_338 : vector<1x16xf32> to vector<16xf32>
        %add3A_340 = arith.addf %add3A_298, %get3A_339 : vector<16xf32>
        %get3A_341 = arith.index_cast %scan3A_330 : i32 to index
        %get3A_342 = arith.constant 32 : index
        %get3A_343 = tpu.vector_load %arg7[%get3A_341, %get3A_342] {strides = array<i32>} : memref<200x128xf32, #tpu.memory_space<vmem>>, vector<1x16xf32>,
        %get3A_344 = vector.shape_cast %get3A_343 : vector<1x16xf32> to vector<16xf32>
        %add3A_345 = arith.addf %add3A_303, %get3A_344 : vector<16xf32>
        %get3A_346 = arith.index_cast %scan3A_330 : i32 to index
        %get3A_347 = arith.constant 48 : index
        %get3A_348 = tpu.vector_load %arg7[%get3A_346, %get3A_347] {strides = array<i32>} : memref<200x128xf32, #tpu.memory_space<vmem>>, vector<1x16xf32>,
        %get3A_349 = vector.shape_cast %get3A_348 : vector<1x16xf32> to vector<16xf32>
        %add3A_350 = arith.addf %add3A_308, %get3A_349 : vector<16xf32>
        %get3A_351 = arith.index_cast %scan3A_330 : i32 to index
        %get3A_352 = arith.constant 64 : index
        %get3A_353 = tpu.vector_load %arg7[%get3A_351, %get3A_352] {strides = array<i32>} : memref<200x128xf32, #tpu.memory_space<vmem>>, vector<1x16xf32>,
        %get3A_354 = vector.shape_cast %get3A_353 : vector<1x16xf32> to vector<16xf32>
        %add3A_355 = arith.addf %add3A_313, %get3A_354 : vector<16xf32>
        %get3A_356 = arith.index_cast %scan3A_330 : i32 to index
        %get3A_357 = arith.constant 80 : index
        %get3A_358 = tpu.vector_load %arg7[%get3A_356, %get3A_357] {strides = array<i32>} : memref<200x128xf32, #tpu.memory_space<vmem>>, vector<1x16xf32>,
        %get3A_359 = vector.shape_cast %get3A_358 : vector<1x16xf32> to vector<16xf32>
        %add3A_360 = arith.addf %add3A_318, %get3A_359 : vector<16xf32>
        %get3A_361 = arith.index_cast %scan3A_330 : i32 to index
        %get3A_362 = arith.constant 96 : index
        %get3A_363 = tpu.vector_load %arg7[%get3A_361, %get3A_362] {strides = array<i32>} : memref<200x128xf32, #tpu.memory_space<vmem>>, vector<1x16xf32>,
        %get3A_364 = vector.shape_cast %get3A_363 : vector<1x16xf32> to vector<16xf32>
        %add3A_365 = arith.addf %add3A_323, %get3A_364 : vector<16xf32>
        %get3A_366 = arith.index_cast %scan3A_330 : i32 to index
        %get3A_367 = arith.constant 112 : index
        %get3A_368 = tpu.vector_load %arg7[%get3A_366, %get3A_367] {strides = array<i32>} : memref<200x128xf32, #tpu.memory_space<vmem>>, vector<1x16xf32>,
        %get3A_369 = vector.shape_cast %get3A_368 : vector<1x16xf32> to vector<16xf32>
        %add3A_370 = arith.addf %add3A_328, %get3A_369 : vector<16xf32>
        %scan3A_371 = arith.constant 3 : i32
        %scan3A_372 = arith.addi %scan3A_239, %scan3A_371 : i32
        %get3A_373 = arith.index_cast %scan3A_372 : i32 to index
        %get3A_374 = arith.constant 0 : index
        %get3A_375 = tpu.vector_load %arg7[%get3A_373, %get3A_374] {strides = array<i32>} : memref<200x128xf32, #tpu.memory_space<vmem>>, vector<1x16xf32>,
        %get3A_376 = vector.shape_cast %get3A_375 : vector<1x16xf32> to vector<16xf32>
        %add3A_377 = arith.addf %add3A_335, %get3A_376 : vector<16xf32>
        %get3A_378 = arith.index_cast %scan3A_372 : i32 to index
        %get3A_379 = arith.constant 16 : index
        %get3A_380 = tpu.vector_load %arg7[%get3A_378, %get3A_379] {strides = array<i32>} : memref<200x128xf32, #tpu.memory_space<vmem>>, vector<1x16xf32>,
        %get3A_381 = vector.shape_cast %get3A_380 : vector<1x16xf32> to vector<16xf32>
        %add3A_382 = arith.addf %add3A_340, %get3A_381 : vector<16xf32>
        %get3A_383 = arith.index_cast %scan3A_372 : i32 to index
        %get3A_384 = arith.constant 32 : index
        %get3A_385 = tpu.vector_load %arg7[%get3A_383, %get3A_384] {strides = array<i32>} : memref<200x128xf32, #tpu.memory_space<vmem>>, vector<1x16xf32>,
        %get3A_386 = vector.shape_cast %get3A_385 : vector<1x16xf32> to vector<16xf32>
        %add3A_387 = arith.addf %add3A_345, %get3A_386 : vector<16xf32>
        %get3A_388 = arith.index_cast %scan3A_372 : i32 to index
        %get3A_389 = arith.constant 48 : index
        %get3A_390 = tpu.vector_load %arg7[%get3A_388, %get3A_389] {strides = array<i32>} : memref<200x128xf32, #tpu.memory_space<vmem>>, vector<1x16xf32>,
        %get3A_391 = vector.shape_cast %get3A_390 : vector<1x16xf32> to vector<16xf32>
        %add3A_392 = arith.addf %add3A_350, %get3A_391 : vector<16xf32>
        %get3A_393 = arith.index_cast %scan3A_372 : i32 to index
        %get3A_394 = arith.constant 64 : index
        %get3A_395 = tpu.vector_load %arg7[%get3A_393, %get3A_394] {strides = array<i32>} : memref<200x128xf32, #tpu.memory_space<vmem>>, vector<1x16xf32>,
        %get3A_396 = vector.shape_cast %get3A_395 : vector<1x16xf32> to vector<16xf32>
        %add3A_397 = arith.addf %add3A_355, %get3A_396 : vector<16xf32>
        %get3A_398 = arith.index_cast %scan3A_372 : i32 to index
        %get3A_399 = arith.constant 80 : index
        %get3A_400 = tpu.vector_load %arg7[%get3A_398, %get3A_399] {strides = array<i32>} : memref<200x128xf32, #tpu.memory_space<vmem>>, vector<1x16xf32>,
        %get3A_401 = vector.shape_cast %get3A_400 : vector<1x16xf32> to vector<16xf32>
        %add3A_402 = arith.addf %add3A_360, %get3A_401 : vector<16xf32>
        %get3A_403 = arith.index_cast %scan3A_372 : i32 to index
        %get3A_404 = arith.constant 96 : index
        %get3A_405 = tpu.vector_load %arg7[%get3A_403, %get3A_404] {strides = array<i32>} : memref<200x128xf32, #tpu.memory_space<vmem>>, vector<1x16xf32>,
        %get3A_406 = vector.shape_cast %get3A_405 : vector<1x16xf32> to vector<16xf32>
        %add3A_407 = arith.addf %add3A_365, %get3A_406 : vector<16xf32>
        %get3A_408 = arith.index_cast %scan3A_372 : i32 to index
        %get3A_409 = arith.constant 112 : index
        %get3A_410 = tpu.vector_load %arg7[%get3A_408, %get3A_409] {strides = array<i32>} : memref<200x128xf32, #tpu.memory_space<vmem>>, vector<1x16xf32>,
        %get3A_411 = vector.shape_cast %get3A_410 : vector<1x16xf32> to vector<16xf32>
        %add3A_412 = arith.addf %add3A_370, %get3A_411 : vector<16xf32>
        %scan3A_413 = arith.constant 4 : i32
        %scan3A_414 = arith.addi %scan3A_239, %scan3A_413 : i32
        %get3A_415 = arith.index_cast %scan3A_414 : i32 to index
        %get3A_416 = arith.constant 0 : index
        %get3A_417 = tpu.vector_load %arg7[%get3A_415, %get3A_416] {strides = array<i32>} : memref<200x128xf32, #tpu.memory_space<vmem>>, vector<1x16xf32>,
        %get3A_418 = vector.shape_cast %get3A_417 : vector<1x16xf32> to vector<16xf32>
        %add3A_419 = arith.addf %add3A_377, %get3A_418 : vector<16xf32>
        %get3A_420 = arith.index_cast %scan3A_414 : i32 to index
        %get3A_421 = arith.constant 16 : index
        %get3A_422 = tpu.vector_load %arg7[%get3A_420, %get3A_421] {strides = array<i32>} : memref<200x128xf32, #tpu.memory_space<vmem>>, vector<1x16xf32>,
        %get3A_423 = vector.shape_cast %get3A_422 : vector<1x16xf32> to vector<16xf32>
        %add3A_424 = arith.addf %add3A_382, %get3A_423 : vector<16xf32>
        %get3A_425 = arith.index_cast %scan3A_414 : i32 to index
        %get3A_426 = arith.constant 32 : index
        %get3A_427 = tpu.vector_load %arg7[%get3A_425, %get3A_426] {strides = array<i32>} : memref<200x128xf32, #tpu.memory_space<vmem>>, vector<1x16xf32>,
        %get3A_428 = vector.shape_cast %get3A_427 : vector<1x16xf32> to vector<16xf32>
        %add3A_429 = arith.addf %add3A_387, %get3A_428 : vector<16xf32>
        %get3A_430 = arith.index_cast %scan3A_414 : i32 to index
        %get3A_431 = arith.constant 48 : index
        %get3A_432 = tpu.vector_load %arg7[%get3A_430, %get3A_431] {strides = array<i32>} : memref<200x128xf32, #tpu.memory_space<vmem>>, vector<1x16xf32>,
        %get3A_433 = vector.shape_cast %get3A_432 : vector<1x16xf32> to vector<16xf32>
        %add3A_434 = arith.addf %add3A_392, %get3A_433 : vector<16xf32>
        %get3A_435 = arith.index_cast %scan3A_414 : i32 to index
        %get3A_436 = arith.constant 64 : index
        %get3A_437 = tpu.vector_load %arg7[%get3A_435, %get3A_436] {strides = array<i32>} : memref<200x128xf32, #tpu.memory_space<vmem>>, vector<1x16xf32>,
        %get3A_438 = vector.shape_cast %get3A_437 : vector<1x16xf32> to vector<16xf32>
        %add3A_439 = arith.addf %add3A_397, %get3A_438 : vector<16xf32>
        %get3A_440 = arith.index_cast %scan3A_414 : i32 to index
        %get3A_441 = arith.constant 80 : index
        %get3A_442 = tpu.vector_load %arg7[%get3A_440, %get3A_441] {strides = array<i32>} : memref<200x128xf32, #tpu.memory_space<vmem>>, vector<1x16xf32>,
        %get3A_443 = vector.shape_cast %get3A_442 : vector<1x16xf32> to vector<16xf32>
        %add3A_444 = arith.addf %add3A_402, %get3A_443 : vector<16xf32>
        %get3A_445 = arith.index_cast %scan3A_414 : i32 to index
        %get3A_446 = arith.constant 96 : index
        %get3A_447 = tpu.vector_load %arg7[%get3A_445, %get3A_446] {strides = array<i32>} : memref<200x128xf32, #tpu.memory_space<vmem>>, vector<1x16xf32>,
        %get3A_448 = vector.shape_cast %get3A_447 : vector<1x16xf32> to vector<16xf32>
        %add3A_449 = arith.addf %add3A_407, %get3A_448 : vector<16xf32>
        %get3A_450 = arith.index_cast %scan3A_414 : i32 to index
        %get3A_451 = arith.constant 112 : index
        %get3A_452 = tpu.vector_load %arg7[%get3A_450, %get3A_451] {strides = array<i32>} : memref<200x128xf32, #tpu.memory_space<vmem>>, vector<1x16xf32>,
        %get3A_453 = vector.shape_cast %get3A_452 : vector<1x16xf32> to vector<16xf32>
        %add3A_454 = arith.addf %add3A_412, %get3A_453 : vector<16xf32>
        %scan3A_455 = arith.constant 5 : i32
        %scan3A_456 = arith.addi %scan3A_239, %scan3A_455 : i32
        %get3A_457 = arith.index_cast %scan3A_456 : i32 to index
        %get3A_458 = arith.constant 0 : index
        %get3A_459 = tpu.vector_load %arg7[%get3A_457, %get3A_458] {strides = array<i32>} : memref<200x128xf32, #tpu.memory_space<vmem>>, vector<1x16xf32>,
        %get3A_460 = vector.shape_cast %get3A_459 : vector<1x16xf32> to vector<16xf32>
        %add3A_461 = arith.addf %add3A_419, %get3A_460 : vector<16xf32>
        %get3A_462 = arith.index_cast %scan3A_456 : i32 to index
        %get3A_463 = arith.constant 16 : index
        %get3A_464 = tpu.vector_load %arg7[%get3A_462, %get3A_463] {strides = array<i32>} : memref<200x128xf32, #tpu.memory_space<vmem>>, vector<1x16xf32>,
        %get3A_465 = vector.shape_cast %get3A_464 : vector<1x16xf32> to vector<16xf32>
        %add3A_466 = arith.addf %add3A_424, %get3A_465 : vector<16xf32>
        %get3A_467 = arith.index_cast %scan3A_456 : i32 to index
        %get3A_468 = arith.constant 32 : index
        %get3A_469 = tpu.vector_load %arg7[%get3A_467, %get3A_468] {strides = array<i32>} : memref<200x128xf32, #tpu.memory_space<vmem>>, vector<1x16xf32>,
        %get3A_470 = vector.shape_cast %get3A_469 : vector<1x16xf32> to vector<16xf32>
        %add3A_471 = arith.addf %add3A_429, %get3A_470 : vector<16xf32>
        %get3A_472 = arith.index_cast %scan3A_456 : i32 to index
        %get3A_473 = arith.constant 48 : index
        %get3A_474 = tpu.vector_load %arg7[%get3A_472, %get3A_473] {strides = array<i32>} : memref<200x128xf32, #tpu.memory_space<vmem>>, vector<1x16xf32>,
        %get3A_475 = vector.shape_cast %get3A_474 : vector<1x16xf32> to vector<16xf32>
        %add3A_476 = arith.addf %add3A_434, %get3A_475 : vector<16xf32>
        %get3A_477 = arith.index_cast %scan3A_456 : i32 to index
        %get3A_478 = arith.constant 64 : index
        %get3A_479 = tpu.vector_load %arg7[%get3A_477, %get3A_478] {strides = array<i32>} : memref<200x128xf32, #tpu.memory_space<vmem>>, vector<1x16xf32>,
        %get3A_480 = vector.shape_cast %get3A_479 : vector<1x16xf32> to vector<16xf32>
        %add3A_481 = arith.addf %add3A_439, %get3A_480 : vector<16xf32>
        %get3A_482 = arith.index_cast %scan3A_456 : i32 to index
        %get3A_483 = arith.constant 80 : index
        %get3A_484 = tpu.vector_load %arg7[%get3A_482, %get3A_483] {strides = array<i32>} : memref<200x128xf32, #tpu.memory_space<vmem>>, vector<1x16xf32>,
        %get3A_485 = vector.shape_cast %get3A_484 : vector<1x16xf32> to vector<16xf32>
        %add3A_486 = arith.addf %add3A_444, %get3A_485 : vector<16xf32>
        %get3A_487 = arith.index_cast %scan3A_456 : i32 to index
        %get3A_488 = arith.constant 96 : index
        %get3A_489 = tpu.vector_load %arg7[%get3A_487, %get3A_488] {strides = array<i32>} : memref<200x128xf32, #tpu.memory_space<vmem>>, vector<1x16xf32>,
        %get3A_490 = vector.shape_cast %get3A_489 : vector<1x16xf32> to vector<16xf32>
        %add3A_491 = arith.addf %add3A_449, %get3A_490 : vector<16xf32>
        %get3A_492 = arith.index_cast %scan3A_456 : i32 to index
        %get3A_493 = arith.constant 112 : index
        %get3A_494 = tpu.vector_load %arg7[%get3A_492, %get3A_493] {strides = array<i32>} : memref<200x128xf32, #tpu.memory_space<vmem>>, vector<1x16xf32>,
        %get3A_495 = vector.shape_cast %get3A_494 : vector<1x16xf32> to vector<16xf32>
        %add3A_496 = arith.addf %add3A_454, %get3A_495 : vector<16xf32>
        %scan3A_497 = arith.constant 6 : i32
        %scan3A_498 = arith.addi %scan3A_239, %scan3A_497 : i32
        %get3A_499 = arith.index_cast %scan3A_498 : i32 to index
        %get3A_500 = arith.constant 0 : index
        %get3A_501 = tpu.vector_load %arg7[%get3A_499, %get3A_500] {strides = array<i32>} : memref<200x128xf32, #tpu.memory_space<vmem>>, vector<1x16xf32>,
        %get3A_502 = vector.shape_cast %get3A_501 : vector<1x16xf32> to vector<16xf32>
        %add3A_503 = arith.addf %add3A_461, %get3A_502 : vector<16xf32>
        %get3A_504 = arith.index_cast %scan3A_498 : i32 to index
        %get3A_505 = arith.constant 16 : index
        %get3A_506 = tpu.vector_load %arg7[%get3A_504, %get3A_505] {strides = array<i32>} : memref<200x128xf32, #tpu.memory_space<vmem>>, vector<1x16xf32>,
        %get3A_507 = vector.shape_cast %get3A_506 : vector<1x16xf32> to vector<16xf32>
        %add3A_508 = arith.addf %add3A_466, %get3A_507 : vector<16xf32>
        %get3A_509 = arith.index_cast %scan3A_498 : i32 to index
        %get3A_510 = arith.constant 32 : index
        %get3A_511 = tpu.vector_load %arg7[%get3A_509, %get3A_510] {strides = array<i32>} : memref<200x128xf32, #tpu.memory_space<vmem>>, vector<1x16xf32>,
        %get3A_512 = vector.shape_cast %get3A_511 : vector<1x16xf32> to vector<16xf32>
        %add3A_513 = arith.addf %add3A_471, %get3A_512 : vector<16xf32>
        %get3A_514 = arith.index_cast %scan3A_498 : i32 to index
        %get3A_515 = arith.constant 48 : index
        %get3A_516 = tpu.vector_load %arg7[%get3A_514, %get3A_515] {strides = array<i32>} : memref<200x128xf32, #tpu.memory_space<vmem>>, vector<1x16xf32>,
        %get3A_517 = vector.shape_cast %get3A_516 : vector<1x16xf32> to vector<16xf32>
        %add3A_518 = arith.addf %add3A_476, %get3A_517 : vector<16xf32>
        %get3A_519 = arith.index_cast %scan3A_498 : i32 to index
        %get3A_520 = arith.constant 64 : index
        %get3A_521 = tpu.vector_load %arg7[%get3A_519, %get3A_520] {strides = array<i32>} : memref<200x128xf32, #tpu.memory_space<vmem>>, vector<1x16xf32>,
        %get3A_522 = vector.shape_cast %get3A_521 : vector<1x16xf32> to vector<16xf32>
        %add3A_523 = arith.addf %add3A_481, %get3A_522 : vector<16xf32>
        %get3A_524 = arith.index_cast %scan3A_498 : i32 to index
        %get3A_525 = arith.constant 80 : index
        %get3A_526 = tpu.vector_load %arg7[%get3A_524, %get3A_525] {strides = array<i32>} : memref<200x128xf32, #tpu.memory_space<vmem>>, vector<1x16xf32>,
        %get3A_527 = vector.shape_cast %get3A_526 : vector<1x16xf32> to vector<16xf32>
        %add3A_528 = arith.addf %add3A_486, %get3A_527 : vector<16xf32>
        %get3A_529 = arith.index_cast %scan3A_498 : i32 to index
        %get3A_530 = arith.constant 96 : index
        %get3A_531 = tpu.vector_load %arg7[%get3A_529, %get3A_530] {strides = array<i32>} : memref<200x128xf32, #tpu.memory_space<vmem>>, vector<1x16xf32>,
        %get3A_532 = vector.shape_cast %get3A_531 : vector<1x16xf32> to vector<16xf32>
        %add3A_533 = arith.addf %add3A_491, %get3A_532 : vector<16xf32>
        %get3A_534 = arith.index_cast %scan3A_498 : i32 to index
        %get3A_535 = arith.constant 112 : index
        %get3A_536 = tpu.vector_load %arg7[%get3A_534, %get3A_535] {strides = array<i32>} : memref<200x128xf32, #tpu.memory_space<vmem>>, vector<1x16xf32>,
        %get3A_537 = vector.shape_cast %get3A_536 : vector<1x16xf32> to vector<16xf32>
        %add3A_538 = arith.addf %add3A_496, %get3A_537 : vector<16xf32>
        %scan3A_539 = arith.constant 7 : i32
        %scan3A_540 = arith.addi %scan3A_239, %scan3A_539 : i32
        %get3A_541 = arith.index_cast %scan3A_540 : i32 to index
        %get3A_542 = arith.constant 0 : index
        %get3A_543 = tpu.vector_load %arg7[%get3A_541, %get3A_542] {strides = array<i32>} : memref<200x128xf32, #tpu.memory_space<vmem>>, vector<1x16xf32>,
        %get3A_544 = vector.shape_cast %get3A_543 : vector<1x16xf32> to vector<16xf32>
        %add3A_545 = arith.addf %add3A_503, %get3A_544 : vector<16xf32>
        %get3A_546 = arith.index_cast %scan3A_540 : i32 to index
        %get3A_547 = arith.constant 16 : index
        %get3A_548 = tpu.vector_load %arg7[%get3A_546, %get3A_547] {strides = array<i32>} : memref<200x128xf32, #tpu.memory_space<vmem>>, vector<1x16xf32>,
        %get3A_549 = vector.shape_cast %get3A_548 : vector<1x16xf32> to vector<16xf32>
        %add3A_550 = arith.addf %add3A_508, %get3A_549 : vector<16xf32>
        %get3A_551 = arith.index_cast %scan3A_540 : i32 to index
        %get3A_552 = arith.constant 32 : index
        %get3A_553 = tpu.vector_load %arg7[%get3A_551, %get3A_552] {strides = array<i32>} : memref<200x128xf32, #tpu.memory_space<vmem>>, vector<1x16xf32>,
        %get3A_554 = vector.shape_cast %get3A_553 : vector<1x16xf32> to vector<16xf32>
        %add3A_555 = arith.addf %add3A_513, %get3A_554 : vector<16xf32>
        %get3A_556 = arith.index_cast %scan3A_540 : i32 to index
        %get3A_557 = arith.constant 48 : index
        %get3A_558 = tpu.vector_load %arg7[%get3A_556, %get3A_557] {strides = array<i32>} : memref<200x128xf32, #tpu.memory_space<vmem>>, vector<1x16xf32>,
        %get3A_559 = vector.shape_cast %get3A_558 : vector<1x16xf32> to vector<16xf32>
        %add3A_560 = arith.addf %add3A_518, %get3A_559 : vector<16xf32>
        %get3A_561 = arith.index_cast %scan3A_540 : i32 to index
        %get3A_562 = arith.constant 64 : index
        %get3A_563 = tpu.vector_load %arg7[%get3A_561, %get3A_562] {strides = array<i32>} : memref<200x128xf32, #tpu.memory_space<vmem>>, vector<1x16xf32>,
        %get3A_564 = vector.shape_cast %get3A_563 : vector<1x16xf32> to vector<16xf32>
        %add3A_565 = arith.addf %add3A_523, %get3A_564 : vector<16xf32>
        %get3A_566 = arith.index_cast %scan3A_540 : i32 to index
        %get3A_567 = arith.constant 80 : index
        %get3A_568 = tpu.vector_load %arg7[%get3A_566, %get3A_567] {strides = array<i32>} : memref<200x128xf32, #tpu.memory_space<vmem>>, vector<1x16xf32>,
        %get3A_569 = vector.shape_cast %get3A_568 : vector<1x16xf32> to vector<16xf32>
        %add3A_570 = arith.addf %add3A_528, %get3A_569 : vector<16xf32>
        %get3A_571 = arith.index_cast %scan3A_540 : i32 to index
        %get3A_572 = arith.constant 96 : index
        %get3A_573 = tpu.vector_load %arg7[%get3A_571, %get3A_572] {strides = array<i32>} : memref<200x128xf32, #tpu.memory_space<vmem>>, vector<1x16xf32>,
        %get3A_574 = vector.shape_cast %get3A_573 : vector<1x16xf32> to vector<16xf32>
        %add3A_575 = arith.addf %add3A_533, %get3A_574 : vector<16xf32>
        %get3A_576 = arith.index_cast %scan3A_540 : i32 to index
        %get3A_577 = arith.constant 112 : index
        %get3A_578 = tpu.vector_load %arg7[%get3A_576, %get3A_577] {strides = array<i32>} : memref<200x128xf32, #tpu.memory_space<vmem>>, vector<1x16xf32>,
        %get3A_579 = vector.shape_cast %get3A_578 : vector<1x16xf32> to vector<16xf32>
        %add3A_580 = arith.addf %add3A_538, %get3A_579 : vector<16xf32>
        scf.yield %add3A_545, %add3A_550, %add3A_555, %add3A_560, %add3A_565, %add3A_570, %add3A_575, %add3A_580 : vector<16xf32>, vector<16xf32>, vector<16xf32>, vector<16xf32>, vector<16xf32>, vector<16xf32>, vector<16xf32>, vector<16xf32>
      }
      %scan3A_174 = arith.constant 200 : i32
      %mul3A_175 = arith.constant 5.000000e-03 : f32
      %mul3A_176 = vector.broadcast %mul3A_175 : f32 to vector<16xf32>
      %mul3A_177 = arith.mulf %scan3A_173#0, %mul3A_176 : vector<16xf32>
      %swap3A_178 = arith.index_cast %add3A_33 : i32 to index
      %swap3A_179 = arith.constant 0 : index
      %swap3A_180 = tpu.vector_load %arg8[%swap3A_178, %swap3A_179] {strides = array<i32>} : memref<128x128xf32, #tpu.memory_space<vmem>>, vector<1x16xf32>,
      %swap3A_181 = vector.shape_cast %swap3A_180 : vector<1x16xf32> to vector<16xf32>
      %swap3A_182 = vector.shape_cast %mul3A_177 : vector<16xf32> to vector<1x16xf32>
      tpu.vector_store %arg8[%swap3A_178, %swap3A_179], %swap3A_182 {strides = array<i32>} : memref<128x128xf32, #tpu.memory_space<vmem>>, vector<1x16xf32>,
      %mul3A_183 = arith.constant 5.000000e-03 : f32
      %mul3A_184 = vector.broadcast %mul3A_183 : f32 to vector<16xf32>
      %mul3A_185 = arith.mulf %scan3A_173#1, %mul3A_184 : vector<16xf32>
      %swap3A_186 = arith.index_cast %add3A_33 : i32 to index
      %swap3A_187 = arith.constant 16 : index
      %swap3A_188 = tpu.vector_load %arg8[%swap3A_186, %swap3A_187] {strides = array<i32>} : memref<128x128xf32, #tpu.memory_space<vmem>>, vector<1x16xf32>,
      %swap3A_189 = vector.shape_cast %swap3A_188 : vector<1x16xf32> to vector<16xf32>
      %swap3A_190 = vector.shape_cast %mul3A_185 : vector<16xf32> to vector<1x16xf32>
      tpu.vector_store %arg8[%swap3A_186, %swap3A_187], %swap3A_190 {strides = array<i32>} : memref<128x128xf32, #tpu.memory_space<vmem>>, vector<1x16xf32>,
      %mul3A_191 = arith.constant 5.000000e-03 : f32
      %mul3A_192 = vector.broadcast %mul3A_191 : f32 to vector<16xf32>
      %mul3A_193 = arith.mulf %scan3A_173#2, %mul3A_192 : vector<16xf32>
      %swap3A_194 = arith.index_cast %add3A_33 : i32 to index
      %swap3A_195 = arith.constant 32 : index
      %swap3A_196 = tpu.vector_load %arg8[%swap3A_194, %swap3A_195] {strides = array<i32>} : memref<128x128xf32, #tpu.memory_space<vmem>>, vector<1x16xf32>,
      %swap3A_197 = vector.shape_cast %swap3A_196 : vector<1x16xf32> to vector<16xf32>
      %swap3A_198 = vector.shape_cast %mul3A_193 : vector<16xf32> to vector<1x16xf32>
      tpu.vector_store %arg8[%swap3A_194, %swap3A_195], %swap3A_198 {strides = array<i32>} : memref<128x128xf32, #tpu.memory_space<vmem>>, vector<1x16xf32>,
      %mul3A_199 = arith.constant 5.000000e-03 : f32
      %mul3A_200 = vector.broadcast %mul3A_199 : f32 to vector<16xf32>
      %mul3A_201 = arith.mulf %scan3A_173#3, %mul3A_200 : vector<16xf32>
      %swap3A_202 = arith.index_cast %add3A_33 : i32 to index
      %swap3A_203 = arith.constant 48 : index
      %swap3A_204 = tpu.vector_load %arg8[%swap3A_202, %swap3A_203] {strides = array<i32>} : memref<128x128xf32, #tpu.memory_space<vmem>>, vector<1x16xf32>,
      %swap3A_205 = vector.shape_cast %swap3A_204 : vector<1x16xf32> to vector<16xf32>
      %swap3A_206 = vector.shape_cast %mul3A_201 : vector<16xf32> to vector<1x16xf32>
      tpu.vector_store %arg8[%swap3A_202, %swap3A_203], %swap3A_206 {strides = array<i32>} : memref<128x128xf32, #tpu.memory_space<vmem>>, vector<1x16xf32>,
      %mul3A_207 = arith.constant 5.000000e-03 : f32
      %mul3A_208 = vector.broadcast %mul3A_207 : f32 to vector<16xf32>
      %mul3A_209 = arith.mulf %scan3A_173#4, %mul3A_208 : vector<16xf32>
      %swap3A_210 = arith.index_cast %add3A_33 : i32 to index
      %swap3A_211 = arith.constant 64 : index
      %swap3A_212 = tpu.vector_load %arg8[%swap3A_210, %swap3A_211] {strides = array<i32>} : memref<128x128xf32, #tpu.memory_space<vmem>>, vector<1x16xf32>,
      %swap3A_213 = vector.shape_cast %swap3A_212 : vector<1x16xf32> to vector<16xf32>
      %swap3A_214 = vector.shape_cast %mul3A_209 : vector<16xf32> to vector<1x16xf32>
      tpu.vector_store %arg8[%swap3A_210, %swap3A_211], %swap3A_214 {strides = array<i32>} : memref<128x128xf32, #tpu.memory_space<vmem>>, vector<1x16xf32>,
      %mul3A_215 = arith.constant 5.000000e-03 : f32
      %mul3A_216 = vector.broadcast %mul3A_215 : f32 to vector<16xf32>
      %mul3A_217 = arith.mulf %scan3A_173#5, %mul3A_216 : vector<16xf32>
      %swap3A_218 = arith.index_cast %add3A_33 : i32 to index
      %swap3A_219 = arith.constant 80 : index
      %swap3A_220 = tpu.vector_load %arg8[%swap3A_218, %swap3A_219] {strides = array<i32>} : memref<128x128xf32, #tpu.memory_space<vmem>>, vector<1x16xf32>,
      %swap3A_221 = vector.shape_cast %swap3A_220 : vector<1x16xf32> to vector<16xf32>
      %swap3A_222 = vector.shape_cast %mul3A_217 : vector<16xf32> to vector<1x16xf32>
      tpu.vector_store %arg8[%swap3A_218, %swap3A_219], %swap3A_222 {strides = array<i32>} : memref<128x128xf32, #tpu.memory_space<vmem>>, vector<1x16xf32>,
      %mul3A_223 = arith.constant 5.000000e-03 : f32
      %mul3A_224 = vector.broadcast %mul3A_223 : f32 to vector<16xf32>
      %mul3A_225 = arith.mulf %scan3A_173#6, %mul3A_224 : vector<16xf32>
      %swap3A_226 = arith.index_cast %add3A_33 : i32 to index
      %swap3A_227 = arith.constant 96 : index
      %swap3A_228 = tpu.vector_load %arg8[%swap3A_226, %swap3A_227] {strides = array<i32>} : memref<128x128xf32, #tpu.memory_space<vmem>>, vector<1x16xf32>,
      %swap3A_229 = vector.shape_cast %swap3A_228 : vector<1x16xf32> to vector<16xf32>
      %swap3A_230 = vector.shape_cast %mul3A_225 : vector<16xf32> to vector<1x16xf32>
      tpu.vector_store %arg8[%swap3A_226, %swap3A_227], %swap3A_230 {strides = array<i32>} : memref<128x128xf32, #tpu.memory_space<vmem>>, vector<1x16xf32>,
      %mul3A_231 = arith.constant 5.000000e-03 : f32
      %mul3A_232 = vector.broadcast %mul3A_231 : f32 to vector<16xf32>
      %mul3A_233 = arith.mulf %scan3A_173#7, %mul3A_232 : vector<16xf32>
      %swap3A_234 = arith.index_cast %add3A_33 : i32 to index
      %swap3A_235 = arith.constant 112 : index
      %swap3A_236 = tpu.vector_load %arg8[%swap3A_234, %swap3A_235] {strides = array<i32>} : memref<128x128xf32, #tpu.memory_space<vmem>>, vector<1x16xf32>,
      %swap3A_237 = vector.shape_cast %swap3A_236 : vector<1x16xf32> to vector<16xf32>
      %swap3A_238 = vector.shape_cast %mul3A_233 : vector<16xf32> to vector<1x16xf32>
      tpu.vector_store %arg8[%swap3A_234, %swap3A_235], %swap3A_238 {strides = array<i32>} : memref<128x128xf32, #tpu.memory_space<vmem>>, vector<1x16xf32>,
    }
    %scan3A_28 = arith.constant 64 : i32
    "tpu.region"() ({
      %run_scoped3A = tpu.sem_alloc : memref<!tpu.dma_semaphore, #tpu.memory_space<semaphore_mem>>
      %dma_start3A_29 = arith.constant 0 : i32
      %dma_start3A_30 = tpu.memref_slice %arg4[%mul3A_2, %dma_start3A_29] : memref<4096x128xf32, #tpu.memory_space<hbm>> -> memref<128x128xf32, #tpu.memory_space<hbm>>
      %dma_start3A_31 = arith.constant 0 : i32
      %dma_start3A_32 = tpu.memref_slice %arg4[%mul3A_2, %dma_start3A_31] : memref<4096x128xf32, #tpu.memory_space<hbm>> -> memref<128x128xf32, #tpu.memory_space<hbm>>
      tpu.enqueue_dma source(%arg8 : memref<128x128xf32, #tpu.memory_space<vmem>>) target(%dma_start3A_32 : memref<128x128xf32, #tpu.memory_space<hbm>>) target_semaphore(%run_scoped3A : memref<!tpu.dma_semaphore, #tpu.memory_space<semaphore_mem>>)
      %dma_wait3A = arith.constant 0 : i32
      %dma_wait3A_33 = tpu.memref_slice %arg4[%mul3A_2, %dma_wait3A] : memref<4096x128xf32, #tpu.memory_space<hbm>> -> memref<128x128xf32, #tpu.memory_space<hbm>>
      %dma_wait3A_34 = arith.constant 0 : i32
      %dma_wait3A_35 = tpu.memref_slice %arg4[%mul3A_2, %dma_wait3A_34] : memref<4096x128xf32, #tpu.memory_space<hbm>> -> memref<128x128xf32, #tpu.memory_space<hbm>>
      tpu.wait_dma2 semaphore(%run_scoped3A : memref<!tpu.dma_semaphore, #tpu.memory_space<semaphore_mem>>) src(%arg8 : memref<128x128xf32, #tpu.memory_space<vmem>>) dst(%dma_wait3A_35 : memref<128x128xf32, #tpu.memory_space<hbm>>)
      tpu.yield
    }) : () -> ()
    return
  }
}

</mosaic_0001>

<sc_bundles>
// kernel: kernel.3.cloned.1.call-start
scs
__scs_entry_jumppad:
0x0: {  	(pc) =	sbr.rel $0x88, $3  }
0x1: {  	(tag) =	ssettag $0x0;
	lr =	simm.s32 $0x1  }
0x2: {  	[smem:$0x3F9F] =	sst lr;
	_ =	strace $0xD0000000  }
0x3: {  	_ = 	snop  }
0x4: {  	_ = 	snop  }
0x5: {  	_ = 	snop  }
0x6: {  	_ = 	snop  }
0x7: {  	_ = 	snop  }
__scs_overlays_trampoline_lowered:
0x8: {  	[smem:$0x3FAE] =	sst s0  }
0x9: {  	[smem:$0x3FAF] =	sst s1  }
0xa: {  	[smem:$0x3FB0] =	sst s2  }
0xb: {  	[smem:$0x3FB1] =	sst s3  }
0xc: {  	[smem:$0x3FB2] =	sst s4  }
0xd: {  	[smem:$0x3FB3] =	sst s5  }
0xe: {  	[smem:$0x3FB4] =	sst s6  }
0xf: {  	[smem:$0x3FB5] =	sst s7  }
0x10: {  	[smem:$0x3FB6] =	sst s8  }
0x11: {  	[smem:$0x3FB7] =	sst s9;
	s0 =	simm.s32 @!p0 $0x0  }
0x12: {  	s1 =	sld [smem:$0x3F9D];
	s0 =	simm.s32 @p0 $0x1  }
0x13: {  	[smem:$0x3FB8] =	sst s0;
	s0 =	simm.s32 @!p1 $0x0  }
0x14: {  	s2 =	sld [smem:$0x3F9C];
	s0 =	simm.s32 @p1 $0x1  }
0x15: {  	[smem:$0x3FB9] =	sst s0;
	s0 =	simm.s32 @!p2 $0x0  }
0x16: {  	s3 =	sld [smem:$0x3FDB];
	s0 =	simm.s32 @p2 $0x1  }
0x17: {  	s4 =	simm.s32 $0x1BF5;
	[smem:$0x3FBB] =	sst s0  }
0x18: {  	s0 =	sld [smem:$0x3F9E];
	_ =	swait.ge [sflag:s4], $0x0  }
0x19: {  	s7 =	sld [smem:$0x3F9F]  }
0x1a: {  	s8 =	sadd.s32 $0xFFFFE003, lr  }
0x1b: {  	s9 =	sadd.s32 $0xFFFFFEF7, lr;
	s5 =	simm.s32 $0xFFFFFFFF;
	p2 =	slt.u32 s8, $0xFFFFF086  }
0x1c: {  	p1 =	slt.u32 s9, $0xF7A;
	s5 =	simm.s32 @!p2 $0x0  }
0x1d: {  	s5 =	simm.s32 @p1 $0x1;
	p0 =	seq.s32 s7, s2  }
0x1e: {  	s7 =	smul.u32 @!p0 $0xF7A, s2;
	p2 =	seq.s32 @!p0 s5, $0x0  }
0x1f: {  	s9 =	smul.u32 $0xF7A, s1;
	s8 =	simm.s32 @!p0 $0x1BF5;
	p2 =	por !p2, p0  }
0x20: {  	[sflag:s8] =	ssyncset.s32 @!p0 $0xFFFFF086;
	s6 =	sadd.s32 @!p0 s3, s7;
	s7 =	simm.s32 @!p0 $0x108  }
0x21: {  	s3 =	sadd.s32 s3, s9;
	s6 =	sadd.s32 @!p0 $0x88, s6;
	s7 =	simm.s32 @p2 $0x1082  }
0x22: {  	[simem:s7], [sflag:s8] =	dma.local @!p0 [hbm:s6], $0xF7A  }
0x23: {  	s9 =	sor.u32 $0xD0000000, s2;
	s6 =	simm.s32 $0x108;
	_ =	swait.ge @!p0 [sflag:s8], $0x0  }
0x24: {  	s3 =	sadd.s32 $0x88, s3;
	s6 =	simm.s32 @!p1 $0x1082;
	[sflag:s4] =	ssyncset.s32 $0xFFFFF086  }
0x25: {  	[simem:s6], [sflag:s4] =	dma.local [hbm:s3], $0xF7A  }
0x26: {  	[smem:$0x3F9F] =	sst s1;
	(tag) =	ssettag s2;
	_ =	strace s9  }
0x27: {  	s1 =	sld [smem:$0x3FAF]  }
0x28: {  	s2 =	sld [smem:$0x3FB0]  }
0x29: {  	s4 =	sld [smem:$0x3FB2]  }
0x2a: {  	p0 =	seq.s32 s5, $0x0;
	s5 =	sld [smem:$0x3FB3]  }
0x2b: {  	s6 =	sld [smem:$0x3FB4]  }
0x2c: {  	s7 =	sld [smem:$0x3FB5]  }
0x2d: {  	s3 =	simm.s32 $0x108;
	s8 =	sld [smem:$0x3FB6]  }
0x2e: {  	s3 =	simm.s32 @!p0 $0x1082;
	s9 =	sld [smem:$0x3FB7]  }
0x2f: {  	lr =	sadd.s32 s0, s3;
	s0 =	sld [smem:$0x3FAE]  }
0x30: {  	s3 =	sld [smem:$0x3FB1]  }
0x31: {  	[smem:$0x3FBA] =	sst s10  }
0x32: {  	s10 =	sld [smem:$0x3FB8];
	_ =	sdelay $0x3  }
0x33: {  	p0 =	seq.s32 s10, $0x1;
	s10 =	sld [smem:$0x3FBA];
	_ =	sdelay $0x3  }
0x34: {  	[smem:$0x3FBA] =	sst s10  }
0x35: {  	s10 =	sld [smem:$0x3FB9];
	_ =	sdelay $0x3  }
0x36: {  	p1 =	seq.s32 s10, $0x1;
	s10 =	sld [smem:$0x3FBA];
	_ =	sdelay $0x3  }
0x37: {  	[smem:$0x3FBA] =	sst s10  }
0x38: {  	s10 =	sld [smem:$0x3FBB]  }
0x39: {  	_ = 	snop;
	(pc) =	sbr.ind lr, $3  }
0x3a: {  	_ = 	snop  }
0x3b: {  	_ = 	snop  }
0x3c: {  	p2 =	seq.s32 s10, $0x1;
	s10 =	sld [smem:$0x3FBA]  }
0x3d: {  	_ =	shalt  }
0x3e: {  	_ =	shalt  }
0x3f: {  	_ =	shalt  }
0x40: {  	_ =	shalt  }
0x41: {  	_ =	shalt  }
0x42: {  	_ =	shalt  }
0x43: {  	_ =	shalt  }
0x44: {  	_ =	shalt  }
0x45: {  	_ =	shalt  }
0x46: {  	_ =	shalt  }
0x47: {  	_ =	shalt  }
0x48: {  	_ =	shalt  }
0x49: {  	_ =	shalt  }
0x4a: {  	_ =	shalt  }
0x4b: {  	_ =	shalt  }
0x4c: {  	_ =	shalt  }
0x4d: {  	_ =	shalt  }
0x4e: {  	_ =	shalt  }
0x4f: {  	_ =	shalt  }
0x50: {  	_ =	shalt  }
0x51: {  	_ =	shalt  }
0x52: {  	_ =	shalt  }
0x53: {  	_ =	shalt  }
0x54: {  	_ =	shalt  }
0x55: {  	_ =	shalt  }
0x56: {  	_ =	shalt  }
0x57: {  	_ =	shalt  }
0x58: {  	_ =	shalt  }
0x59: {  	_ =	shalt  }
0x5a: {  	_ =	shalt  }
0x5b: {  	_ =	shalt  }
0x5c: {  	_ =	shalt  }
0x5d: {  	_ =	shalt  }
0x5e: {  	_ =	shalt  }
0x5f: {  	_ =	shalt  }
0x60: {  	_ =	shalt  }
0x61: {  	_ =	shalt  }
0x62: {  	_ =	shalt  }
0x63: {  	_ =	shalt  }
0x64: {  	_ =	shalt  }
0x65: {  	_ =	shalt  }
0x66: {  	_ =	shalt  }
0x67: {  	_ =	shalt  }
0x68: {  	_ =	shalt  }
0x69: {  	_ =	shalt  }
0x6a: {  	_ =	shalt  }
0x6b: {  	_ =	shalt  }
0x6c: {  	_ =	shalt  }
0x6d: {  	_ =	shalt  }
0x6e: {  	_ =	shalt  }
0x6f: {  	_ =	shalt  }
0x70: {  	_ =	shalt  }
0x71: {  	_ =	shalt  }
0x72: {  	_ =	shalt  }
0x73: {  	_ =	shalt  }
0x74: {  	_ =	shalt  }
0x75: {  	_ =	shalt  }
0x76: {  	_ =	shalt  }
0x77: {  	_ =	shalt  }
0x78: {  	_ =	shalt  }
0x79: {  	_ =	shalt  }
0x7a: {  	_ =	shalt  }
0x7b: {  	_ =	shalt  }
0x7c: {  	_ =	shalt  }
0x7d: {  	_ =	shalt  }
0x7e: {  	_ =	shalt  }
0x7f: {  	_ =	shalt  }
0x80: {  	_ =	shalt  }
0x81: {  	_ =	shalt  }
0x82: {  	_ =	shalt  }
0x83: {  	_ =	shalt  }
0x84: {  	_ =	shalt  }
0x85: {  	_ =	shalt  }
0x86: {  	_ =	shalt  }
0x87: {  	_ =	shalt  }
.Lfunc_end0:
.L_simem_size_0:
called_computation_lowered:
.L_overlay_start_0:
0x88: {  	s2 =	sld [smem:$0x3FD9]  }
0x89: {  	s3 =	sld [smem:$0x3FFE];
	_ =	sdelay $0x1  }
0x8a: {  	s1 =	srdreg.scid  }
0x8b: {  	s0 =	sand.u32 $0x1, s1  }
0x8c: {  	s17 =	sshll.u32 s0, $0xA;
	s2 =	sadd.s32 s3, s2  }
0x8d: {  	s2 =	sadd.s32 s2, s17  }
0x8e: {  	[smem:$0x3FC6] =	sst s2  }
0x8f: {  	_ = 	snop  }
0x90: {  	s2 =	sld [smem:$0x3FC8]  }
0x91: {  	s18 =	sld [smem:$0x3FD0];
	(tm) =	ssettm $0x1  }
0x92: {  	s4 =	sld [smem:$0x3FFB];
	_ =	sdelay $0x3  }
0x93: {  	_ =	strace s4  }
0x94: {  	s4 =	sld [smem:$0x3FFC];
	_ =	sdelay $0x3  }
0x95: {  	_ =	strace s4  }
0x96: {  	s4 =	sld [smem:$0x3FFD];
	_ =	sdelay $0x3  }
0x97: {  	_ =	strace s4  }
0x98: {  	_ =	strace $0x8FFFFFFF  }
0x99: {  	s19 =	sld [smem:$0x3FDB];
	_ =	sdelay $0x1  }
0x9a: {  	s5 =	simm.s32 $_scs_section_size  }
0x9b: {  	s6 =	simm.s32 $_size__tile_overlayer_lowered;
	s7 =	simm.s32 $_tile_overlayer_lowered  }
0x9c: {  	s22 =	simm.s32 $0x1BFF;
	s21 =	sshll.u32 s7, $0x1;
	s4 =	sadd.s32 s5, s19  }
0x9d: {  	s8 =	simm.s32 $0x0;
	s20 =	sshll.u32 s6, $0x1;
	s6 =	sadd.s32 s21, s4  }
0x9e: {  	[timem:s8], [sflag:s22] =	dma.local [hbm:s6], s20  }
0x9f: {  	_ =	swait.ge [sflag:s22], s20  }
0xa0: {  	s5 =	ssub.s32 $0x0, s20;
	[sflag:s22] =	ssyncset.done $0x0  }
0xa1: {  	[sflag:s22] =	ssyncadd.s32 s5;
	_ =	sdelay $0x1  }
0xa2: {  	s23 =	simm.s32 $0x1B8B  }
0xa3: {  	_ =	swait.ge [sflag:s23], $0x1  }
0xa4: {  	[sflag:s23] =	ssyncset.done $0x0  }
0xa5: {  	s25 =	simm.s32 $0x1B8E;
	s24 =	sld [smem:$0x3FFE];
	[sflag:s23] =	ssyncadd.s32 $0xFFFFFFFF  }
0xa6: {  	s26 =	simm.s32 $execute0_lowered;
	[smem:$0x3FD2] =	sst s25  }
0xa7: {  	s6 =	sshll.u32 s26, $0x1;
	_ =	strace $0x80000046;
	[dreg:$0x1] =	wrdreg $0xFFFFFFFF  }
0xa8: {  	s28 =	simm.s32 $_size_execute0_lowered;
	s4 =	sadd.s32 s4, s6;
	[dreg:$0x0] =	wrdreg $0x0  }
0xa9: {  	s6 =	sshll.u32 s28, $0x1;
	[dreg:$0x2] =	wrdreg s4  }
0xaa: {  	[dreg:$0x3] =	wrdreg s6  }
0xab: {  	[dreg:$0x4] =	wrdreg $0xC0  }
0xac: {  	_ =	task [dreg:s8], $0x5FFFF  }
0xad: {  	[dreg:$0x1] =	wrdreg $0xFFFFFFFF  }
0xae: {  	[dreg:$0x0] =	wrdreg $0x60  }
0xaf: {  	[dreg:$0x2] =	wrdreg s24  }
0xb0: {  	[dreg:$0x3] =	wrdreg s2  }
0xb1: {  	[dreg:$0x4] =	wrdreg s18  }
0xb2: {  	[dreg:$0x5] =	wrdreg $0x9  }
0xb3: {  	_ =	task.clear_ibuf [dreg:s8], $0x6FFFF;
	_ =	strace $0x90000046  }
0xb4: {  	s29 =	simm.s32 $0x9;
	_ =	strace $0x80000048  }
0xb5: {  	_ =	swait.ge [sflag:s29], $0x1  }
0xb6: {  	[sflag:s29] =	ssyncadd.s32 $0xFFFFFFFF  }
0xb7: {  	_ =	strace $0x90000048  }
0xb8: {  	_ =	sfence  }
0xb9: {  	s30 =	sld [smem:$0x0];
	_ =	sdelay $0x2  }
0xba: {  	s31 =	sshll.u32 s1, $0xD;
	s1 =	sshrl.u32 s1, $0x2  }
0xbb: {  	s3 =	sand.u32 $0x4000, s31;
	s1 =	sadd.s32 s1, s30  }
0xbc: {  	s0 =	sor.u32 s3, s0;
	s1 =	sshll.u32 s1, $0x11  }
0xbd: {  	s0 =	sor.u32 s1, s0  }
0xbe: {  	s0 =	sadd.s32 $0x8F2B, s0  }
0xbf: {  	[sflag:s0] =	ssyncadd.remote.s32 $0x1  }
0xc0: {  	_ =	sfence.sel $0xFFFF  }
0xc1: {  	[dreg:$0x0] =	wrdreg $0xFFFFFFFF;
	(pc) =	sbr.abs _section_cstart, $3  }
0xc2: {  	[dreg:$0x1] =	wrdreg $0xFFFFFFFF  }
0xc3: {  	_ =	task.clear_ibuf [dreg:s8], $0x2FFFF;
	_ =	strace $0x9FFFFFFF  }
0xc4: {  	(tm) =	ssettm $0x7FFFFFFF  }
0xc5: {  	_ =	shalt  }
tec
execute0_lowered:
.L_overlay_start_1:
0x0: {  	(tag) =	ssettag $0x1  }
0x1: {  	s4 =	rddreg [dreg:$0x0]  }
0x2: {  	s2 =	rddreg [dreg:$0x1]  }
0x3: {  	s5 =	rddreg [dreg:$0x2];
	s3 =	srdreg.scid  }
0x4: {  	s0 =	rddreg [dreg:$0x3];
	s1 =	stileid.u32  }
0x5: {  	s9 =	simm.s32 $0x8000;
	s10 =	simm.s32 $0x80;
	s11 =	simm.s32 $0xB200  }
0x6: {  	s12 =	simm.s32 $0xE400;
	s13 =	simm.s32 $0x11600;
	s14 =	simm.s32 $0x1  }
0x7: {  	s15 =	simm.s32 $0x2;
	s16 =	simm.s32 $0x14800;
	s17 =	simm.s32 $0x0  }
0x8: {  	s6 =	sand.u32 $0x1, s3;
	s3 =	simm.s32 $0x0;
	s7 =	sshll.u32 s1, $0x8  }
0x9: {  	s8 =	sshll.u32 s6, $0x7;
	[smem:$0x7FF] =	sst s3;
	s6 =	ssub.s32 $0x2, s6  }
0xa: {  	s7 =	sor.u32 s8, s7;
	_ =	strace $0x80000047;
	s31 =	sshrl.u32 s6, $0x1  }
0xb: {  	s8 =	sshll.u32 s7, $0x5;
	s7 =	sshll.u32 s7, $0x4;
	s6 =	ssub.s32 s6, s31  }
0xc: {  	s4 =	sadd.s32 s8, s4;
	s5 =	sadd.s32 s5, s7;
	s6 =	smax.u32 s6, $0x1  }
0xd: {  	s7 =	simm.s32 $0x3;
	s8 =	simm.s32 $0x64;
	s4 =	sadd.s32 $0x400, s4  }
.LBB2_1:
0xe: {  	[tilespmem:s3], [sflag:$0x3] =	stream.linear.gather [hbm4b:s4+s3], $0x8000, $0x38;
	[tilespmem:$0x18800] =	vst v63  }
0xf: {  	_ =	swait.ge [sflag:s7], $0x8000  }
0x10: {  	[sflag:s7] =	ssyncset.done $0x0  }
0x11: {  	[sflag:s7] =	ssyncadd.s32 $0xFFFF8000  }
0x12: {  	[tilespmem:s9], [sflag:$0x1] =	stream.indirect.gather [hbm4b:s2+s8], $0x80, s3, s8, $0xb8;
	[tilespmem:$0x18800] =	vst v63  }
0x13: {  	s18 =	simm.s32 $0x0  }
0x14: {  	[tilespmem:s11], [sflag:$0x1] =	stream.indirect.gather [hbm4b:s2+s8], $0x80, s10, s8, $0xb8;
	[tilespmem:$0x18800] =	vst v63  }
.LBB2_2:
0x15: {  	s19 =	sshllo.u32 s18, $0x1  }
0x16: {  	s20 =	sshll.u32 s19, $0x8  }
0x17: {  	s20 =	sand.u32 $0x3FFFFF00, s20  }
0x18: {  	[tilespmem:s12], [sflag:$0x2] =	stream.indirect.gather [hbm4b:s2+s8], $0x80, s20, s8, $0xb8;
	[tilespmem:$0x18800] =	vst v63  }
0x19: {  	s20 =	sor.u32 $0x80, s20  }
0x1a: {  	[tilespmem:s13], [sflag:$0x2] =	stream.indirect.gather [hbm4b:s2+s8], $0x80, s20, s8, $0xb8;
	[tilespmem:$0x18800] =	vst v63  }
0x1b: {  	_ =	swait.ge [sflag:s14], $0x6400  }
0x1c: {  	[sflag:s14] =	ssyncset.done $0x0  }
0x1d: {  	s21 =	simm.s32 $0x8200;
	[sflag:s14] =	ssyncadd.s32 $0xFFFF9C00  }
0x1e: {  	v4 =	vld [tilespmem:s21+$0x180]  }
0x1f: {  	v5 =	vld [tilespmem:s21+$0x190]  }
0x20: {  	v8 =	vld [tilespmem:s21+$0x1A0]  }
0x21: {  	v9 =	vld [tilespmem:s21+$0x1B0]  }
0x22: {  	v0 =	vld [tilespmem:s21+$0x1C0]  }
0x23: {  	v1 =	vld [tilespmem:s21+$0x1D0]  }
0x24: {  	v6 =	vld [tilespmem:s21+$0x100]  }
0x25: {  	v7 =	vld [tilespmem:s21+$0x110]  }
0x26: {  	v10 =	vld [tilespmem:s21+$0x120]  }
0x27: {  	v11 =	vld [tilespmem:s21+$0x130]  }
0x28: {  	v3 =	vld [tilespmem:s21+$0x140]  }
0x29: {  	v2 =	vld [tilespmem:s21+$0x150]  }
0x2a: {  	v12 =	vld [tilespmem:s21+$0x80]  }
0x2b: {  	v13 =	vld [tilespmem:s21+$0x90]  }
0x2c: {  	v14 =	vld [tilespmem:s21+$0xA0]  }
0x2d: {  	v15 =	vld [tilespmem:s21+$0xB0]  }
0x2e: {  	v18 =	vld [tilespmem:s21+$0xC0]  }
0x2f: {  	v19 =	vld [tilespmem:s21+$0xD0]  }
0x30: {  	v16 =	vld [tilespmem:s21+$0x0]  }
0x31: {  	v17 =	vld [tilespmem:s21+$0x10]  }
0x32: {  	v20 =	vld [tilespmem:s21+$0x20]  }
0x33: {  	v21 =	vld [tilespmem:s21+$0x30]  }
0x34: {  	v22 =	vld [tilespmem:s21+$0x40]  }
0x35: {  	v23 =	vld [tilespmem:s21+$0x50]  }
0x36: {  	v24 =	vld [tilespmem:s21+$0xFFFFFF80]  }
0x37: {  	v25 =	vld [tilespmem:s21+$0xFFFFFF90]  }
0x38: {  	v26 =	vld [tilespmem:s21+$0xFFFFFF00]  }
0x39: {  	v27 =	vld [tilespmem:s21+$0xFFFFFF10]  }
0x3a: {  	v28 =	vld [tilespmem:s21+$0xFFFFFE80]  }
0x3b: {  	v29 =	vld [tilespmem:s21+$0xFFFFFE90]  }
0x3c: {  	v30 =	vld [tilespmem:s21+$0xFFFFFE00]  }
0x3d: {  	v31 =	vld [tilespmem:s21+$0xFFFFFE10]  }
0x3e: {  	v32 =	vld [tilespmem:s21+$0xFFFFFE20]  }
0x3f: {  	v33 =	vld [tilespmem:s21+$0xFFFFFE30]  }
0x40: {  	v34 =	vld [tilespmem:s21+$0xFFFFFEA0]  }
0x41: {  	v35 =	vld [tilespmem:s21+$0xFFFFFEB0]  }
0x42: {  	v36 =	vimm.f32 $0.0e+00;
	v37 =	vld [tilespmem:s21+$0xFFFFFF20]  }
0x43: {  	v38 =	vld [tilespmem:s21+$0xFFFFFF30];
	v30 =	vadd.f32 v30, v36;
	v31 =	vadd.f32 v31, v36  }
0x44: {  	v39 =	vld [tilespmem:s21+$0xFFFFFFA0];
	v32 =	vadd.f32 v32, v36;
	v33 =	vadd.f32 v33, v36  }
0x45: {  	v49 =	vld [tilespmem:s21+$0xFFFFFFB0];
	v28 =	vadd.f32 v28, v30;
	v29 =	vadd.f32 v29, v31  }
0x46: {  	v52 =	vld [tilespmem:s21+$0xFFFFFFC0];
	v50 =	vadd.f32 v34, v32;
	v51 =	vadd.f32 v35, v33  }
0x47: {  	v53 =	vld [tilespmem:s21+$0xFFFFFFD0];
	v26 =	vadd.f32 v26, v28;
	v27 =	vadd.f32 v27, v29  }
0x48: {  	v56 =	vld [tilespmem:s21+$0xFFFFFF40];
	v54 =	vadd.f32 v37, v50;
	v55 =	vadd.f32 v38, v51  }
0x49: {  	v57 =	vld [tilespmem:s21+$0xFFFFFF50];
	v24 =	vadd.f32 v24, v26;
	v25 =	vadd.f32 v25, v27  }
0x4a: {  	v58 =	vld [tilespmem:s21+$0xFFFFFEC0];
	v59 =	vadd.f32 v39, v54;
	v60 =	vadd.f32 v49, v55  }
0x4b: {  	v61 =	vld [tilespmem:s21+$0xFFFFFED0];
	v16 =	vadd.f32 v16, v24;
	v17 =	vadd.f32 v17, v25  }
0x4c: {  	v62 =	vld [tilespmem:s21+$0xFFFFFE40];
	v20 =	vadd.f32 v20, v59;
	v21 =	vadd.f32 v21, v60  }
0x4d: {  	v63 =	vld [tilespmem:s21+$0xFFFFFE50];
	v12 =	vadd.f32 v12, v16;
	v13 =	vadd.f32 v13, v17  }
0x4e: {  	v16 =	vld [tilespmem:s21+$0xFFFFFE60];
	v14 =	vadd.f32 v14, v20;
	v15 =	vadd.f32 v15, v21  }
0x4f: {  	v17 =	vld [tilespmem:s21+$0xFFFFFE70];
	v6 =	vadd.f32 v6, v12;
	v12 =	vadd.f32 v7, v13  }
0x50: {  	v13 =	vld [tilespmem:s21+$0xFFFFFEE0];
	v10 =	vadd.f32 v10, v14;
	v11 =	vadd.f32 v11, v15  }
0x51: {  	v14 =	vld [tilespmem:s21+$0xFFFFFEF0];
	v7 =	vadd.f32 v4, v6;
	v6 =	vadd.f32 v5, v12  }
0x52: {  	v12 =	vld [tilespmem:s21+$0xFFFFFF60];
	v5 =	vadd.f32 v8, v10;
	v4 =	vadd.f32 v9, v11  }
0x53: {  	v8 =	vadd.f32 v62, v36;
	v9 =	vadd.f32 v63, v36;
	v10 =	vld [tilespmem:s21+$0xFFFFFF70]  }
0x54: {  	v11 =	vadd.f32 v16, v36;
	v15 =	vadd.f32 v17, v36;
	v16 =	vld [tilespmem:s21+$0xFFFFFFE0]  }
0x55: {  	v17 =	vld [tilespmem:s21+$0xFFFFFFF0];
	v8 =	vadd.f32 v58, v8;
	v9 =	vadd.f32 v61, v9  }
0x56: {  	v20 =	vld [tilespmem:s21+$0x70];
	v11 =	vadd.f32 v13, v11;
	v13 =	vadd.f32 v14, v15  }
0x57: {  	v15 =	vld [tilespmem:s21+$0x60];
	v8 =	vadd.f32 v56, v8;
	v9 =	vadd.f32 v57, v9  }
0x58: {  	v14 =	vadd.f32 v12, v11;
	v10 =	vadd.f32 v10, v13;
	v11 =	vld [tilespmem:s21+$0xE0]  }
0x59: {  	v12 =	vld [tilespmem:s21+$0xF0];
	v8 =	vadd.f32 v52, v8;
	v9 =	vadd.f32 v53, v9  }
0x5a: {  	v13 =	vld [tilespmem:s21+$0x160];
	v16 =	vadd.f32 v16, v14;
	v10 =	vadd.f32 v17, v10  }
0x5b: {  	v14 =	vld [tilespmem:s21+$0x170];
	v8 =	vadd.f32 v22, v8;
	v9 =	vadd.f32 v23, v9  }
0x5c: {  	v17 =	vadd.f32 v15, v16;
	v16 =	vadd.f32 v20, v10;
	v15 =	vld [tilespmem:s21+$0x1E0]  }
0x5d: {  	s20 =	simm.s32 $0x0;
	v18 =	vadd.f32 v18, v8;
	v9 =	vadd.f32 v19, v9;
	v8 =	vld [tilespmem:s21+$0x1F0];
	s21 =	simm.s32 $0x8600  }
.LBB2_3:
0x5e: {  	v10 =	vld [tilespmem:s21+$0x180];
	v17 =	vadd.f32 v11, v17;
	v16 =	vadd.f32 v12, v16  }
0x5f: {  	v11 =	vld [tilespmem:s21+$0x190];
	v3 =	vadd.f32 v3, v18;
	v2 =	vadd.f32 v2, v9  }
0x60: {  	v12 =	vld [tilespmem:s21+$0x1A0];
	v9 =	vadd.f32 v13, v17;
	v16 =	vadd.f32 v14, v16  }
0x61: {  	v17 =	vld [tilespmem:s21+$0x1B0];
	v13 =	vadd.f32 v0, v3;
	v14 =	vadd.f32 v1, v2  }
0x62: {  	v0 =	vld [tilespmem:s21+$0x1C0];
	v15 =	vadd.f32 v15, v9;
	v16 =	vadd.f32 v8, v16  }
0x63: {  	v1 =	vld [tilespmem:s21+$0x1D0]  }
0x64: {  	v18 =	vld [tilespmem:s21+$0x100]  }
0x65: {  	v19 =	vld [tilespmem:s21+$0x110]  }
0x66: {  	v20 =	vld [tilespmem:s21+$0x120]  }
0x67: {  	v21 =	vld [tilespmem:s21+$0x130]  }
0x68: {  	v3 =	vld [tilespmem:s21+$0x140]  }
0x69: {  	v2 =	vld [tilespmem:s21+$0x150]  }
0x6a: {  	v22 =	vld [tilespmem:s21+$0x80]  }
0x6b: {  	v23 =	vld [tilespmem:s21+$0x90]  }
0x6c: {  	v24 =	vld [tilespmem:s21+$0xA0]  }
0x6d: {  	v25 =	vld [tilespmem:s21+$0xB0]  }
0x6e: {  	v8 =	vld [tilespmem:s21+$0xC0]  }
0x6f: {  	v9 =	vld [tilespmem:s21+$0xD0]  }
0x70: {  	v26 =	vld [tilespmem:s21+$0x0]  }
0x71: {  	v27 =	vld [tilespmem:s21+$0x10]  }
0x72: {  	v28 =	vld [tilespmem:s21+$0x20]  }
0x73: {  	v29 =	vld [tilespmem:s21+$0x30]  }
0x74: {  	v30 =	vld [tilespmem:s21+$0x40]  }
0x75: {  	v31 =	vld [tilespmem:s21+$0x50]  }
0x76: {  	v32 =	vld [tilespmem:s21+$0xFFFFFF80]  }
0x77: {  	v33 =	vld [tilespmem:s21+$0xFFFFFF90]  }
0x78: {  	v34 =	vld [tilespmem:s21+$0xFFFFFF00]  }
0x79: {  	v35 =	vld [tilespmem:s21+$0xFFFFFF10]  }
0x7a: {  	v36 =	vld [tilespmem:s21+$0xFFFFFE80]  }
0x7b: {  	v37 =	vld [tilespmem:s21+$0xFFFFFE90]  }
0x7c: {  	v38 =	vld [tilespmem:s21+$0xFFFFFE00]  }
0x7d: {  	v39 =	vld [tilespmem:s21+$0xFFFFFE10]  }
0x7e: {  	v40 =	vld [tilespmem:s21+$0xFFFFFE20]  }
0x7f: {  	v41 =	vld [tilespmem:s21+$0xFFFFFE30]  }
0x80: {  	v42 =	vld [tilespmem:s21+$0xFFFFFEA0]  }
0x81: {  	v43 =	vld [tilespmem:s21+$0xFFFFFEB0]  }
0x82: {  	v44 =	vld [tilespmem:s21+$0xFFFFFF20]  }
0x83: {  	v7 =	vadd.f32 v38, v7;
	v6 =	vadd.f32 v39, v6;
	v38 =	vld [tilespmem:s21+$0xFFFFFF30]  }
0x84: {  	v5 =	vadd.f32 v40, v5;
	v4 =	vadd.f32 v41, v4;
	v39 =	vld [tilespmem:s21+$0xFFFFFFA0]  }
0x85: {  	v7 =	vadd.f32 v36, v7;
	v6 =	vadd.f32 v37, v6;
	v36 =	vld [tilespmem:s21+$0xFFFFFFB0]  }
0x86: {  	v5 =	vadd.f32 v42, v5;
	v4 =	vadd.f32 v43, v4;
	v37 =	vld [tilespmem:s21+$0xFFFFFFC0]  }
0x87: {  	v7 =	vadd.f32 v34, v7;
	v6 =	vadd.f32 v35, v6;
	v34 =	vld [tilespmem:s21+$0xFFFFFFD0]  }
0x88: {  	v5 =	vadd.f32 v44, v5;
	v4 =	vadd.f32 v38, v4;
	v35 =	vld [tilespmem:s21+$0xFFFFFF40]  }
0x89: {  	v7 =	vadd.f32 v32, v7;
	v6 =	vadd.f32 v33, v6;
	v38 =	vld [tilespmem:s21+$0xFFFFFF50]  }
0x8a: {  	v5 =	vadd.f32 v39, v5;
	v32 =	vld [tilespmem:s21+$0xFFFFFEC0];
	v4 =	vadd.f32 v36, v4  }
0x8b: {  	v7 =	vadd.f32 v26, v7;
	v6 =	vadd.f32 v27, v6;
	v33 =	vld [tilespmem:s21+$0xFFFFFED0]  }
0x8c: {  	v5 =	vadd.f32 v28, v5;
	v26 =	vld [tilespmem:s21+$0xFFFFFE40];
	v4 =	vadd.f32 v29, v4  }
0x8d: {  	v7 =	vadd.f32 v22, v7;
	v6 =	vadd.f32 v23, v6;
	v27 =	vld [tilespmem:s21+$0xFFFFFE50]  }
0x8e: {  	v5 =	vadd.f32 v24, v5;
	v22 =	vld [tilespmem:s21+$0xFFFFFE60];
	v4 =	vadd.f32 v25, v4  }
0x8f: {  	s20 =	sadd.s32 $0x8, s20;
	v7 =	vadd.f32 v18, v7;
	v6 =	vadd.f32 v19, v6;
	v23 =	vld [tilespmem:s21+$0xFFFFFE70]  }
0x90: {  	p0 =	slt.u32 s20, $0xC0;
	v5 =	vadd.f32 v20, v5;
	v18 =	vld [tilespmem:s21+$0xFFFFFEE0];
	v4 =	vadd.f32 v21, v4  }
0x91: {  	v7 =	vadd.f32 v10, v7;
	v6 =	vadd.f32 v11, v6;
	v19 =	vld [tilespmem:s21+$0xFFFFFEF0]  }
0x92: {  	v5 =	vadd.f32 v12, v5;
	v10 =	vld [tilespmem:s21+$0xFFFFFF60];
	v4 =	vadd.f32 v17, v4  }
0x93: {  	v11 =	vadd.f32 v26, v13;
	v12 =	vadd.f32 v27, v14;
	v13 =	vld [tilespmem:s21+$0xFFFFFF70]  }
0x94: {  	v14 =	vadd.f32 v22, v15;
	v15 =	vadd.f32 v23, v16;
	v16 =	vld [tilespmem:s21+$0xFFFFFFE0]  }
0x95: {  	v11 =	vadd.f32 v32, v11;
	v12 =	vadd.f32 v33, v12;
	v17 =	vld [tilespmem:s21+$0xFFFFFFF0]  }
0x96: {  	v14 =	vadd.f32 v18, v14;
	v15 =	vadd.f32 v19, v15;
	v18 =	vld [tilespmem:s21+$0x60]  }
0x97: {  	v19 =	vadd.f32 v35, v11;
	v12 =	vadd.f32 v38, v12;
	v20 =	vld [tilespmem:s21+$0x70]  }
0x98: {  	v10 =	vadd.f32 v10, v14;
	v13 =	vadd.f32 v13, v15;
	v11 =	vld [tilespmem:s21+$0xE0]  }
.Ltmp0:
0x99: {  	v14 =	vadd.f32 v37, v19;
	v15 =	vadd.f32 v34, v12;
	v12 =	vld [tilespmem:s21+$0xF0];
	(pc) =	sbr.rel @p0 .LBB2_3-.Ltmp0, $4  }
0x9a: {  	v10 =	vadd.f32 v16, v10;
	v16 =	vadd.f32 v17, v13;
	v13 =	vld [tilespmem:s21+$0x160]  }
0x9b: {  	v19 =	vadd.f32 v30, v14;
	v21 =	vadd.f32 v31, v15;
	v14 =	vld [tilespmem:s21+$0x170]  }
0x9c: {  	v17 =	vadd.f32 v18, v10;
	v16 =	vadd.f32 v20, v16;
	v15 =	vld [tilespmem:s21+$0x1E0]  }
0x9d: {  	v18 =	vadd.f32 v8, v19;
	v9 =	vadd.f32 v9, v21;
	v8 =	vld [tilespmem:s21+$0x1F0];
	s21 =	sadd.s32 $0x400, s21  }
0x9e: {  	_ = 	snop  }
0x9f: {  	v10 =	vadd.f32 v11, v17;
	v7 =	vmul.f32 $4.999999890e-03, v7;
	s20 =	sshll.u32 s18, $0x8;
	v3 =	vadd.f32 v3, v18  }
0xa0: {  	v11 =	vadd.f32 v12, v16;
	v6 =	vmul.f32 $4.999999890e-03, v6;
	v2 =	vadd.f32 v2, v9;
	s20 =	sand.u32 $0x3FFFFF00, s20  }
0xa1: {  	v9 =	vadd.f32 v13, v10;
	[tilespmem:s20+$0x14800] =	vst v7;
	v0 =	vadd.f32 v0, v3;
	v3 =	vmul.f32 $4.999999890e-03, v5  }
0xa2: {  	[tilespmem:s20+$0x14810] =	vst v6;
	v5 =	vadd.f32 v14, v11;
	v1 =	vadd.f32 v1, v2;
	v2 =	vmul.f32 $4.999999890e-03, v4  }
0xa3: {  	v4 =	vadd.f32 v15, v9;
	[tilespmem:s20+$0x14820] =	vst v3;
	v0 =	vmul.f32 $4.999999890e-03, v0  }
0xa4: {  	v3 =	vadd.f32 v8, v5;
	[tilespmem:s20+$0x14830] =	vst v2;
	v1 =	vmul.f32 $4.999999890e-03, v1  }
0xa5: {  	p0 =	seq.s32 s18, $0x3F;
	[tilespmem:s20+$0x14840] =	vst v0;
	v0 =	vmul.f32 $4.999999890e-03, v4  }
0xa6: {  	s21 =	sshll.u32 @!p0 s18, $0x9;
	[tilespmem:s20+$0x14850] =	vst v1;
	v1 =	vmul.f32 $4.999999890e-03, v3  }
0xa7: {  	s21 =	sand.u32 @!p0 $0x3FFFFE00, s21;
	[tilespmem:s20+$0x14860] =	vst v0  }
0xa8: {  	s22 =	simm.s32 @!p0 $0x64;
	s23 =	simm.s32 @!p0 $0x8000;
	[tilespmem:s20+$0x14870] =	vst v1;
	s20 =	sadd.s32 @!p0 $0x200, s21  }
0xa9: {  	[tilespmem:s23], [sflag:$0x1] =	stream.indirect.gather @!p0 [hbm4b:s2+s22], $0x80, s20, s22, $0xb8;
	[tilespmem:$0x18800] =	vst v63  }
0xaa: {  	s20 =	sadd.s32 @!p0 $0x280, s21;
	s21 =	simm.s32 @!p0 $0xB200  }
0xab: {  	[tilespmem:s21], [sflag:$0x1] =	stream.indirect.gather @!p0 [hbm4b:s2+s22], $0x80, s20, s22, $0xb8;
	[tilespmem:$0x18800] =	vst v63  }
0xac: {  	_ =	swait.ge [sflag:s15], $0x6400  }
0xad: {  	[sflag:s15] =	ssyncset.done $0x0  }
0xae: {  	s31 =	simm.s32 $0xE600;
	[sflag:s15] =	ssyncadd.s32 $0xFFFF9C00  }
0xaf: {  	v4 =	vld [tilespmem:s31+$0x180]  }
0xb0: {  	v5 =	vld [tilespmem:s31+$0x190]  }
0xb1: {  	v8 =	vld [tilespmem:s31+$0x1A0]  }
0xb2: {  	v9 =	vld [tilespmem:s31+$0x1B0]  }
0xb3: {  	v0 =	vld [tilespmem:s31+$0x1C0]  }
0xb4: {  	v1 =	vld [tilespmem:s31+$0x1D0]  }
0xb5: {  	v6 =	vld [tilespmem:s31+$0x100]  }
0xb6: {  	v7 =	vld [tilespmem:s31+$0x110]  }
0xb7: {  	v10 =	vld [tilespmem:s31+$0x120]  }
0xb8: {  	v11 =	vld [tilespmem:s31+$0x130]  }
0xb9: {  	v3 =	vld [tilespmem:s31+$0x140]  }
0xba: {  	v2 =	vld [tilespmem:s31+$0x150]  }
0xbb: {  	v12 =	vld [tilespmem:s31+$0x80]  }
0xbc: {  	v13 =	vld [tilespmem:s31+$0x90]  }
0xbd: {  	v14 =	vld [tilespmem:s31+$0xA0]  }
0xbe: {  	v15 =	vld [tilespmem:s31+$0xB0]  }
0xbf: {  	v18 =	vld [tilespmem:s31+$0xC0]  }
0xc0: {  	v19 =	vld [tilespmem:s31+$0xD0]  }
0xc1: {  	v16 =	vld [tilespmem:s31+$0x0]  }
0xc2: {  	v17 =	vld [tilespmem:s31+$0x10]  }
0xc3: {  	v20 =	vld [tilespmem:s31+$0x20]  }
0xc4: {  	v21 =	vld [tilespmem:s31+$0x30]  }
0xc5: {  	v22 =	vld [tilespmem:s31+$0x40]  }
0xc6: {  	v23 =	vld [tilespmem:s31+$0x50]  }
0xc7: {  	v24 =	vld [tilespmem:s31+$0xFFFFFF80]  }
0xc8: {  	v25 =	vld [tilespmem:s31+$0xFFFFFF90]  }
0xc9: {  	v26 =	vld [tilespmem:s31+$0xFFFFFF00]  }
0xca: {  	v27 =	vld [tilespmem:s31+$0xFFFFFF10]  }
0xcb: {  	v28 =	vld [tilespmem:s31+$0xFFFFFE80]  }
0xcc: {  	v29 =	vld [tilespmem:s31+$0xFFFFFE90]  }
0xcd: {  	v30 =	vld [tilespmem:s31+$0xFFFFFE00]  }
0xce: {  	v31 =	vld [tilespmem:s31+$0xFFFFFE10]  }
0xcf: {  	v32 =	vld [tilespmem:s31+$0xFFFFFE20]  }
0xd0: {  	v33 =	vld [tilespmem:s31+$0xFFFFFE30]  }
0xd1: {  	v34 =	vld [tilespmem:s31+$0xFFFFFEA0]  }
0xd2: {  	v35 =	vld [tilespmem:s31+$0xFFFFFEB0]  }
0xd3: {  	v36 =	vimm.f32 $0.0e+00;
	v37 =	vld [tilespmem:s31+$0xFFFFFF20]  }
0xd4: {  	v38 =	vld [tilespmem:s31+$0xFFFFFF30];
	v30 =	vadd.f32 v30, v36;
	v31 =	vadd.f32 v31, v36  }
0xd5: {  	v39 =	vld [tilespmem:s31+$0xFFFFFFA0];
	v32 =	vadd.f32 v32, v36;
	v33 =	vadd.f32 v33, v36  }
0xd6: {  	v49 =	vld [tilespmem:s31+$0xFFFFFFB0];
	v28 =	vadd.f32 v28, v30;
	v29 =	vadd.f32 v29, v31  }
0xd7: {  	v52 =	vld [tilespmem:s31+$0xFFFFFFC0];
	v50 =	vadd.f32 v34, v32;
	v51 =	vadd.f32 v35, v33  }
0xd8: {  	v53 =	vld [tilespmem:s31+$0xFFFFFFD0];
	v26 =	vadd.f32 v26, v28;
	v27 =	vadd.f32 v27, v29  }
0xd9: {  	v56 =	vld [tilespmem:s31+$0xFFFFFF40];
	v54 =	vadd.f32 v37, v50;
	v55 =	vadd.f32 v38, v51  }
0xda: {  	v57 =	vld [tilespmem:s31+$0xFFFFFF50];
	v24 =	vadd.f32 v24, v26;
	v25 =	vadd.f32 v25, v27  }
0xdb: {  	v58 =	vld [tilespmem:s31+$0xFFFFFEC0];
	v59 =	vadd.f32 v39, v54;
	v60 =	vadd.f32 v49, v55  }
0xdc: {  	v61 =	vld [tilespmem:s31+$0xFFFFFED0];
	v16 =	vadd.f32 v16, v24;
	v17 =	vadd.f32 v17, v25  }
0xdd: {  	v62 =	vld [tilespmem:s31+$0xFFFFFE40];
	v20 =	vadd.f32 v20, v59;
	v21 =	vadd.f32 v21, v60  }
0xde: {  	v63 =	vld [tilespmem:s31+$0xFFFFFE50];
	v12 =	vadd.f32 v12, v16;
	v13 =	vadd.f32 v13, v17  }
0xdf: {  	v16 =	vld [tilespmem:s31+$0xFFFFFE60];
	v14 =	vadd.f32 v14, v20;
	v15 =	vadd.f32 v15, v21  }
0xe0: {  	v17 =	vld [tilespmem:s31+$0xFFFFFE70];
	v6 =	vadd.f32 v6, v12;
	v12 =	vadd.f32 v7, v13  }
0xe1: {  	v13 =	vld [tilespmem:s31+$0xFFFFFEE0];
	v10 =	vadd.f32 v10, v14;
	v11 =	vadd.f32 v11, v15  }
0xe2: {  	v14 =	vld [tilespmem:s31+$0xFFFFFEF0];
	v7 =	vadd.f32 v4, v6;
	v6 =	vadd.f32 v5, v12  }
0xe3: {  	v12 =	vld [tilespmem:s31+$0xFFFFFF60];
	v5 =	vadd.f32 v8, v10;
	v4 =	vadd.f32 v9, v11  }
0xe4: {  	v8 =	vadd.f32 v62, v36;
	v9 =	vadd.f32 v63, v36;
	v10 =	vld [tilespmem:s31+$0xFFFFFF70]  }
0xe5: {  	v11 =	vadd.f32 v16, v36;
	v15 =	vadd.f32 v17, v36;
	v16 =	vld [tilespmem:s31+$0xFFFFFFE0]  }
0xe6: {  	v17 =	vld [tilespmem:s31+$0xFFFFFFF0];
	v8 =	vadd.f32 v58, v8;
	v9 =	vadd.f32 v61, v9  }
0xe7: {  	v20 =	vld [tilespmem:s31+$0x70];
	v11 =	vadd.f32 v13, v11;
	v13 =	vadd.f32 v14, v15  }
0xe8: {  	v15 =	vld [tilespmem:s31+$0x60];
	v8 =	vadd.f32 v56, v8;
	v9 =	vadd.f32 v57, v9  }
0xe9: {  	v14 =	vadd.f32 v12, v11;
	v10 =	vadd.f32 v10, v13;
	v11 =	vld [tilespmem:s31+$0xE0]  }
0xea: {  	v12 =	vld [tilespmem:s31+$0xF0];
	v8 =	vadd.f32 v52, v8;
	v9 =	vadd.f32 v53, v9  }
0xeb: {  	v13 =	vld [tilespmem:s31+$0x160];
	v16 =	vadd.f32 v16, v14;
	v10 =	vadd.f32 v17, v10  }
0xec: {  	v14 =	vld [tilespmem:s31+$0x170];
	v8 =	vadd.f32 v22, v8;
	v9 =	vadd.f32 v23, v9  }
0xed: {  	v17 =	vadd.f32 v15, v16;
	v16 =	vadd.f32 v20, v10;
	v15 =	vld [tilespmem:s31+$0x1E0]  }
0xee: {  	s20 =	simm.s32 $0x0;
	s21 =	simm.s32 $0xEA00;
	v18 =	vadd.f32 v18, v8;
	v9 =	vadd.f32 v19, v9;
	v8 =	vld [tilespmem:s31+$0x1F0]  }
.LBB2_5:
0xef: {  	v10 =	vld [tilespmem:s21+$0x180];
	v17 =	vadd.f32 v11, v17;
	v16 =	vadd.f32 v12, v16  }
0xf0: {  	v11 =	vld [tilespmem:s21+$0x190];
	v3 =	vadd.f32 v3, v18;
	v2 =	vadd.f32 v2, v9  }
0xf1: {  	v12 =	vld [tilespmem:s21+$0x1A0];
	v9 =	vadd.f32 v13, v17;
	v16 =	vadd.f32 v14, v16  }
0xf2: {  	v17 =	vld [tilespmem:s21+$0x1B0];
	v13 =	vadd.f32 v0, v3;
	v14 =	vadd.f32 v1, v2  }
0xf3: {  	v0 =	vld [tilespmem:s21+$0x1C0];
	v15 =	vadd.f32 v15, v9;
	v16 =	vadd.f32 v8, v16  }
0xf4: {  	v1 =	vld [tilespmem:s21+$0x1D0]  }
0xf5: {  	v18 =	vld [tilespmem:s21+$0x100]  }
0xf6: {  	v19 =	vld [tilespmem:s21+$0x110]  }
0xf7: {  	v20 =	vld [tilespmem:s21+$0x120]  }
0xf8: {  	v21 =	vld [tilespmem:s21+$0x130]  }
0xf9: {  	v3 =	vld [tilespmem:s21+$0x140]  }
0xfa: {  	v2 =	vld [tilespmem:s21+$0x150]  }
0xfb: {  	v22 =	vld [tilespmem:s21+$0x80]  }
0xfc: {  	v23 =	vld [tilespmem:s21+$0x90]  }
0xfd: {  	v24 =	vld [tilespmem:s21+$0xA0]  }
0xfe: {  	v25 =	vld [tilespmem:s21+$0xB0]  }
0xff: {  	v8 =	vld [tilespmem:s21+$0xC0]  }
0x100: {  	v9 =	vld [tilespmem:s21+$0xD0]  }
0x101: {  	v26 =	vld [tilespmem:s21+$0x0]  }
0x102: {  	v27 =	vld [tilespmem:s21+$0x10]  }
0x103: {  	v28 =	vld [tilespmem:s21+$0x20]  }
0x104: {  	v29 =	vld [tilespmem:s21+$0x30]  }
0x105: {  	v30 =	vld [tilespmem:s21+$0x40]  }
0x106: {  	v31 =	vld [tilespmem:s21+$0x50]  }
0x107: {  	v32 =	vld [tilespmem:s21+$0xFFFFFF80]  }
0x108: {  	v33 =	vld [tilespmem:s21+$0xFFFFFF90]  }
0x109: {  	v34 =	vld [tilespmem:s21+$0xFFFFFF00]  }
0x10a: {  	v35 =	vld [tilespmem:s21+$0xFFFFFF10]  }
0x10b: {  	v36 =	vld [tilespmem:s21+$0xFFFFFE80]  }
0x10c: {  	v37 =	vld [tilespmem:s21+$0xFFFFFE90]  }
0x10d: {  	v38 =	vld [tilespmem:s21+$0xFFFFFE00]  }
0x10e: {  	v39 =	vld [tilespmem:s21+$0xFFFFFE10]  }
0x10f: {  	v40 =	vld [tilespmem:s21+$0xFFFFFE20]  }
0x110: {  	v41 =	vld [tilespmem:s21+$0xFFFFFE30]  }
0x111: {  	v42 =	vld [tilespmem:s21+$0xFFFFFEA0]  }
0x112: {  	v43 =	vld [tilespmem:s21+$0xFFFFFEB0]  }
0x113: {  	v44 =	vld [tilespmem:s21+$0xFFFFFF20]  }
0x114: {  	v7 =	vadd.f32 v38, v7;
	v6 =	vadd.f32 v39, v6;
	v38 =	vld [tilespmem:s21+$0xFFFFFF30]  }
0x115: {  	v5 =	vadd.f32 v40, v5;
	v4 =	vadd.f32 v41, v4;
	v39 =	vld [tilespmem:s21+$0xFFFFFFA0]  }
0x116: {  	v7 =	vadd.f32 v36, v7;
	v6 =	vadd.f32 v37, v6;
	v36 =	vld [tilespmem:s21+$0xFFFFFFB0]  }
0x117: {  	v5 =	vadd.f32 v42, v5;
	v4 =	vadd.f32 v43, v4;
	v37 =	vld [tilespmem:s21+$0xFFFFFFC0]  }
0x118: {  	v7 =	vadd.f32 v34, v7;
	v6 =	vadd.f32 v35, v6;
	v34 =	vld [tilespmem:s21+$0xFFFFFFD0]  }
0x119: {  	v5 =	vadd.f32 v44, v5;
	v4 =	vadd.f32 v38, v4;
	v35 =	vld [tilespmem:s21+$0xFFFFFF40]  }
0x11a: {  	v7 =	vadd.f32 v32, v7;
	v6 =	vadd.f32 v33, v6;
	v38 =	vld [tilespmem:s21+$0xFFFFFF50]  }
0x11b: {  	v5 =	vadd.f32 v39, v5;
	v32 =	vld [tilespmem:s21+$0xFFFFFEC0];
	v4 =	vadd.f32 v36, v4  }
0x11c: {  	v7 =	vadd.f32 v26, v7;
	v6 =	vadd.f32 v27, v6;
	v33 =	vld [tilespmem:s21+$0xFFFFFED0]  }
0x11d: {  	v5 =	vadd.f32 v28, v5;
	v26 =	vld [tilespmem:s21+$0xFFFFFE40];
	v4 =	vadd.f32 v29, v4  }
0x11e: {  	v7 =	vadd.f32 v22, v7;
	v6 =	vadd.f32 v23, v6;
	v27 =	vld [tilespmem:s21+$0xFFFFFE50]  }
0x11f: {  	v5 =	vadd.f32 v24, v5;
	v22 =	vld [tilespmem:s21+$0xFFFFFE60];
	v4 =	vadd.f32 v25, v4  }
0x120: {  	s20 =	sadd.s32 $0x8, s20;
	v7 =	vadd.f32 v18, v7;
	v6 =	vadd.f32 v19, v6;
	v23 =	vld [tilespmem:s21+$0xFFFFFE70]  }
0x121: {  	p0 =	slt.u32 s20, $0xC0;
	v5 =	vadd.f32 v20, v5;
	v18 =	vld [tilespmem:s21+$0xFFFFFEE0];
	v4 =	vadd.f32 v21, v4  }
0x122: {  	v7 =	vadd.f32 v10, v7;
	v6 =	vadd.f32 v11, v6;
	v19 =	vld [tilespmem:s21+$0xFFFFFEF0]  }
0x123: {  	v5 =	vadd.f32 v12, v5;
	v10 =	vld [tilespmem:s21+$0xFFFFFF60];
	v4 =	vadd.f32 v17, v4  }
0x124: {  	v11 =	vadd.f32 v26, v13;
	v12 =	vadd.f32 v27, v14;
	v13 =	vld [tilespmem:s21+$0xFFFFFF70]  }
0x125: {  	v14 =	vadd.f32 v22, v15;
	v15 =	vadd.f32 v23, v16;
	v16 =	vld [tilespmem:s21+$0xFFFFFFE0]  }
0x126: {  	v11 =	vadd.f32 v32, v11;
	v12 =	vadd.f32 v33, v12;
	v17 =	vld [tilespmem:s21+$0xFFFFFFF0]  }
0x127: {  	v14 =	vadd.f32 v18, v14;
	v15 =	vadd.f32 v19, v15;
	v18 =	vld [tilespmem:s21+$0x60]  }
0x128: {  	v19 =	vadd.f32 v35, v11;
	v12 =	vadd.f32 v38, v12;
	v20 =	vld [tilespmem:s21+$0x70]  }
0x129: {  	v10 =	vadd.f32 v10, v14;
	v13 =	vadd.f32 v13, v15;
	v11 =	vld [tilespmem:s21+$0xE0]  }
.Ltmp1:
0x12a: {  	v14 =	vadd.f32 v37, v19;
	v15 =	vadd.f32 v34, v12;
	v12 =	vld [tilespmem:s21+$0xF0];
	(pc) =	sbr.rel @p0 .LBB2_5-.Ltmp1, $4  }
0x12b: {  	v10 =	vadd.f32 v16, v10;
	v16 =	vadd.f32 v17, v13;
	v13 =	vld [tilespmem:s21+$0x160]  }
0x12c: {  	v19 =	vadd.f32 v30, v14;
	v21 =	vadd.f32 v31, v15;
	v14 =	vld [tilespmem:s21+$0x170]  }
0x12d: {  	v17 =	vadd.f32 v18, v10;
	v16 =	vadd.f32 v20, v16;
	v15 =	vld [tilespmem:s21+$0x1E0]  }
0x12e: {  	v18 =	vadd.f32 v8, v19;
	v9 =	vadd.f32 v9, v21;
	v8 =	vld [tilespmem:s21+$0x1F0];
	s21 =	sadd.s32 $0x400, s21  }
0x12f: {  	_ = 	snop  }
0x130: {  	v10 =	vadd.f32 v11, v17;
	v7 =	vmul.f32 $4.999999890e-03, v7;
	s19 =	sshll.u32 s19, $0x7;
	v3 =	vadd.f32 v3, v18  }
0x131: {  	v55 =	vadd.f32 v12, v16;
	v6 =	vmul.f32 $4.999999890e-03, v6;
	v2 =	vadd.f32 v2, v9;
	s19 =	sand.u32 $0x3FFFFF80, s19  }
0x132: {  	v57 =	vmul.f32 $4.999999890e-03, v5;
	v56 =	vadd.f32 v13, v10;
	[tilespmem:s19+$0x14800] =	vst v7;
	v0 =	vadd.f32 v0, v3  }
0x133: {  	v59 =	vmul.f32 $4.999999890e-03, v4;
	s18 =	sadd.s32 $0x1, s18;
	v58 =	vadd.f32 v14, v55;
	[tilespmem:s19+$0x14810] =	vst v6;
	v1 =	vadd.f32 v1, v2  }
0x134: {  	p0 =	sne.s32 s18, $0x40;
	[tilespmem:s19+$0x14820] =	vst v57;
	v60 =	vadd.f32 v15, v56;
	v0 =	vmul.f32 $4.999999890e-03, v0  }
.Ltmp2:
0x135: {  	[tilespmem:s19+$0x14830] =	vst v59;
	v61 =	vadd.f32 v8, v58;
	v1 =	vmul.f32 $4.999999890e-03, v1;
	(pc) =	sbr.rel @p0 .LBB2_2-.Ltmp2, $4  }
0x136: {  	v62 =	vmul.f32 $4.999999890e-03, v60;
	[tilespmem:s19+$0x14840] =	vst v0  }
0x137: {  	v63 =	vmul.f32 $4.999999890e-03, v61;
	[tilespmem:s19+$0x14850] =	vst v1  }
0x138: {  	[tilespmem:s19+$0x14860] =	vst v62  }
0x139: {  	[tilespmem:s19+$0x14870] =	vst v63  }
0x13a: {  	s17 =	sadd.s32 $0x1, s17  }
0x13b: {  	p0 =	sne.s32 s17, s6  }
.Ltmp3:
0x13c: {  	_ = 	snop;
	(pc) =	sbr.rel @p0 .LBB2_1-.Ltmp3, $4  }
0x13d: {  	[hbm4b:s5+s3] =	stream.linear.scatter [tilespmem:s16], [sflag:$0x3], $0x4000, $0x38;
	[tilespmem:$0x18800] =	vst v63  }
0x13e: {  	_ =	swait.ge [sflag:s7], $0x4000  }
0x13f: {  	[sflag:s7] =	ssyncset.done $0x0  }
0x140: {  	[sflag:s7] =	ssyncadd.s32 $0xFFFFC000  }
0x141: {  	_ =	sfence.sel $0x180000  }
0x142: {  	[bflag:$0x0] =	sbarrier.arrive $0xFFFF  }
0x143: {  	p0 =	sne.s32 s1, $0x0;
	_ =	strace $0x90000047  }
0x144: {  	s0 =	sadd.s32 @!p0 $0x100000, s0;
	[bflag:$0x2] =	sbarrier.arrive $0xFFFF  }
0x145: {  	[sflag:s0] =	ssyncadd.tile.s32 @!p0 $0x1;
	_ =	shalt  }
.Lfunc_end2:
_tile_overlayer_lowered:
.L_overlay_start_2:
0x146: {  	(tag) =	ssettag $0x2  }
0x147: {  	s0 =	rddreg [dreg:$0x0];
	s2 =	stileid.u32  }
0x148: {  	s1 =	rddreg [dreg:$0x1];
	p0 =	sne.s32 s2, $0x0  }
0x149: {  	s3 =	rddreg [dreg:$0x2];
	[bflag:$0x3] =	sbarrier.arrive $0xFFFF;
	s2 =	simm.s32 @!p0 $0x1C03  }
0x14a: {  	[timem:s3], [sflag:s2] =	dma.local @!p0 [hbm:s0], s1  }
0x14b: {  	s0 =	simm.s32 @!p0 $0x3  }
0x14c: {  	_ =	swait.ge @!p0 [sflag:s0], s1  }
0x14d: {  	s1 =	ssub.s32 @!p0 $0x0, s1;
	[sflag:s0] =	ssyncset.done @!p0 $0x0  }
0x14e: {  	[sflag:s0] =	ssyncadd.s32 @!p0 s1  }
0x14f: {  	[bflag:$0x3] =	sbarrier.arrive $0xFFFF  }
0x150: {  	_ =	shalt  }

</sc_bundles>
